<compile_context>
chip_gen: v7x
topology: tpu7x:2x2x1
jax: 0.10.2.dev20260603
libtpu: 0.0.44.dev20260713+nightly
codegen_flags: <defaults>
</compile_context>

<pallas_src>
import functools

import jax
import jax.numpy as jnp
from jax import lax
from jax.experimental import pallas as pl
from jax.experimental.pallas import tpu as pltpu
from jax.experimental.pallas import tpu_sc as plsc

B, L, V = 128, 50, 10000
NC, NS = 2, 16
NGROUPS = (L + 7) // 8
NQ = 4
ACTIVE = NGROUPS * NQ


def _lane_sum(v, lanes):
    for d in (8, 4, 2, 1):
        v = v + v.at[lanes ^ d].get(mode="promise_in_bounds")
    return v


def _body(props_ref, sw_ref, tgt_ref, adv_ref, out_ref,
          sw_g, tg_g, adv_v, part_v, red_v, out_v, shared, sem, vals_v):
    cid = lax.axis_index("c")
    sid = lax.axis_index("s")
    wid = sid * NC + cid
    g = jnp.minimum(lax.shift_right_logical(wid, 2), jnp.int32(NGROUPS - 1))
    q = lax.bitwise_and(wid, jnp.int32(3))
    wvalid = jnp.minimum(jnp.maximum(
        jnp.float32(ACTIVE) - wid.astype(jnp.float32), jnp.float32(0.0)),
        jnp.float32(1.0))

    g8 = g * 8
    pltpu.sync_copy(sw_ref.at[pl.ds(pl.multiple_of(g8, 8), 8), :], sw_g)
    pltpu.sync_copy(tgt_ref.at[pl.ds(pl.multiple_of(g8, 8), 8), :], tg_g)
    pltpu.sync_copy(adv_ref, adv_v)

    lanes = lax.iota(jnp.int32, 16)

    achunks = [adv_v[pl.ds(i * 16, 16)] for i in range(B // 16)]
    s = jnp.zeros((16,), jnp.float32)
    for c in achunks:
        s = s + c
    mean = _lane_sum(s, lanes) / jnp.float32(B)
    qq = jnp.zeros((16,), jnp.float32)
    for c in achunks:
        d = c - mean
        qq = qq + d * d
    x = _lane_sum(qq, lanes) / jnp.float32(B - 1)
    seed = jnp.int32(0x5F3759DF) - lax.shift_right_logical(
        lax.bitcast_convert_type(x, jnp.int32), 1)
    y = lax.bitcast_convert_type(seed, jnp.float32)
    for _ in range(4):
        y = y * (jnp.float32(1.5) - jnp.float32(0.5) * x * y * y)
    rstd = jnp.minimum(y, jnp.float32(1e8))
    for i in range(B // 16):
        adv_v[pl.ds(i * 16, 16)] = (achunks[i] - mean) * rstd

    copies = []
    for r in range(8):
        lrow = g8 + r
        lc = jnp.minimum(lrow, jnp.int32(L - 1))
        for t in range(2):
            boff = q * 32 + t * 16
            vv = sw_g[r, pl.ds(boff, 16)]
            vv = jnp.maximum(jnp.minimum(vv, jnp.int32(V - 1)), jnp.int32(0))
            flat = lax.shift_left(lc * V + vv, 7) + boff + lanes
            copies.append(pltpu.async_copy(props_ref.at[flat],
                                           vals_v.at[2 * r + t], sem))
    for c in copies:
        c.wait()

    nacc = jnp.zeros((16,), jnp.float32)
    dacc = jnp.zeros((16,), jnp.float32)
    for r in range(8):
        lrow = g8 + r
        rvalid = jnp.minimum(jnp.maximum(
            jnp.float32(L) - lrow.astype(jnp.float32), jnp.float32(0.0)),
            jnp.float32(1.0)) * wvalid
        rv = jnp.broadcast_to(rvalid, (16,))
        for t in range(2):
            boff = q * 32 + t * 16
            tgc = tg_g[r, pl.ds(boff, 16)]
            m = jnp.where(tgc > 0, jnp.float32(1.0), jnp.float32(0.0)) * rv
            a = adv_v[pl.ds(boff, 16)]
            nacc = nacc - vals_v[2 * r + t] * m * a
            dacc = dacc + m

    n_s = _lane_sum(nacc, lanes)
    d_s = _lane_sum(dacc, lanes)
    part_v[...] = jnp.where(lanes == 0, n_s,
                            jnp.where(lanes == 1, d_s, jnp.float32(0.0)))
    pltpu.sync_copy(part_v, shared.at[pl.ds(sid * 16, 16)])
    plsc.subcore_barrier()

    @pl.when(sid == 0)
    def _():
        pltpu.sync_copy(shared, red_v)
        tot = jnp.zeros((16,), jnp.float32)
        for i in range(NS):
            tot = tot + red_v[pl.ds(i * 16, 16)]
        out_v[...] = tot
        pltpu.sync_copy(out_v, out_ref.at[pl.ds(cid * 16, 16)])


_sc_call = functools.partial(
    pl.kernel,
    mesh=plsc.VectorSubcoreMesh(core_axis_name="c", subcore_axis_name="s"),
    out_type=jax.ShapeDtypeStruct((NC * 16,), jnp.float32),
    scratch_types=[
        pltpu.VMEM((8, B), jnp.int32),
        pltpu.VMEM((8, B), jnp.int32),
        pltpu.VMEM((B,), jnp.float32),
        pltpu.VMEM((16,), jnp.float32),
        pltpu.VMEM((NS * 16,), jnp.float32),
        pltpu.VMEM((16,), jnp.float32),
        pltpu.VMEM_SHARED((NS * 16,), jnp.float32),
        pltpu.SemaphoreType.DMA,
        pltpu.VMEM((16, 16), jnp.float32),
    ],
)(_body)


def kernel(props, s_words, tgt, advantage):
    pt = jnp.transpose(props, (1, 2, 0)).reshape(-1)
    sw = jnp.transpose(s_words.astype(jnp.int32), (1, 0))
    tg = jnp.transpose(tgt.astype(jnp.int32), (1, 0))
    adv = advantage.astype(jnp.float32)
    out = _sc_call(pt, sw, tg, adv)
    return (out[0] + out[16]) / (out[1] + out[17])

# --- scband reference (transcript-rebuilt; emitter-appended) ---
"""Pipeline reference for scband-self-critic-criterion-62319975465607 (READ-ONLY COPY).

The authoritative reference and input builder live on the scoring server;
editing this copy changes nothing except your own understanding.
"""

import jax, jax.numpy as jnp
import numpy as np

B, L, V = 128, 50, 10000

def setup_inputs(seed: int = 0) -> dict:
    key = jax.random.key(seed)
    k1, k2, k3, k4 = jax.random.split(key, 4)
    props = jax.random.normal(k1, (B, L, V), dtype=jnp.float32)
    s_words = jax.random.randint(k2, (B, L), 0, V, dtype=jnp.int64)
    tgt = jax.random.randint(k3, (B, L), 0, V, dtype=jnp.int64)
    advantage = jax.random.normal(k4, (B,), dtype=jnp.float32)
    return {"props": props, "s_words": s_words, "tgt": tgt, "advantage": advantage}

def reference(props, s_words, tgt, advantage):
    # advantage normalization: torch .std() is unbiased (ddof=1)
    adv = (advantage - jnp.mean(advantage)) / jnp.clip(jnp.std(advantage, ddof=1), 1e-08, None)
    # props.gather(2, s_words.unsqueeze(2)).squeeze()
    s_props = jnp.take_along_axis(props, s_words[:, :, None], axis=2)[:, :, 0]
    mask = (tgt > 0).astype(jnp.float32)
    adv = jnp.repeat(adv[:, None], mask.shape[1], axis=1)
    adv = jax.lax.stop_gradient(adv)
    return -(s_props * mask * adv).sum() / mask.sum()

if __name__ == "__main__":
    import jax
    _d = setup_inputs()
    print(jax.jit(kernel)(*tuple(_d.values())))

</pallas_src>

<mosaic_0001>
#map = affine_map<(d0, d1) -> (0)>
#map1 = affine_map<(d0, d1) -> (0, 0)>
module attributes {stable_mosaic.version = 14 : i64} {
  func.func @_body(%arg0: i32, %arg1: i32, %arg2: memref<64000000xf32, #tpu.memory_space<hbm>>, %arg3: memref<50x128xi32, #tpu.memory_space<hbm>>, %arg4: memref<50x128xi32, #tpu.memory_space<hbm>>, %arg5: memref<128xf32, #tpu.memory_space<hbm>>, %arg6: memref<32xf32, #tpu.memory_space<hbm>>, %arg7: memref<8x128xi32, #tpu.memory_space<vmem>>, %arg8: memref<8x128xi32, #tpu.memory_space<vmem>>, %arg9: memref<128xf32, #tpu.memory_space<vmem>>, %arg10: memref<16xf32, #tpu.memory_space<vmem>>, %arg11: memref<256xf32, #tpu.memory_space<vmem>>, %arg12: memref<16xf32, #tpu.memory_space<vmem>>, %arg13: memref<256xf32, #tpu.memory_space<vmem_shared>>, %arg14: memref<!tpu.dma_semaphore, #tpu.memory_space<semaphore_mem>>, %arg15: memref<16x16xf32, #tpu.memory_space<vmem>>) attributes {dimension_semantics = [#tpu.dimension_semantics<core_parallel>, #tpu.dimension_semantics<subcore_parallel>], iteration_bounds = array<i64: 2, 16>, scalar_prefetch = 0 : i64, scratch_operands = 9 : i64, tpu.core_type = #tpu.core_type<sc_vector_subcore>, window_params = [{transform_indices = #map}, {transform_indices = #map1}, {transform_indices = #map1}, {transform_indices = #map}, {transform_indices = #map}]} {
    %mul3A = arith.constant 2 : i32
    %mul3A_0 = arith.muli %arg1, %mul3A : i32
    %add3A = arith.addi %mul3A_0, %arg0 : i32
    %shift_right_logical3A = arith.constant 2 : i32
    %shift_right_logical3A_1 = arith.shrui %add3A, %shift_right_logical3A : i32
    %min3A = arith.constant 6 : i32
    %min3A_2 = arith.minsi %shift_right_logical3A_1, %min3A : i32
    %and3A = arith.constant 3 : i32
    %and3A_3 = arith.andi %add3A, %and3A : i32
    %convert_element_type3A = arith.sitofp %add3A : i32 to f32
    %sub3A = arith.constant 2.800000e+01 : f32
    %sub3A_4 = arith.subf %sub3A, %convert_element_type3A : f32
    %max3A = arith.constant 0.000000e+00 : f32
    %max3A_5 = arith.maximumf %sub3A_4, %max3A : f32
    %min3A_6 = arith.constant 1.000000e+00 : f32
    %min3A_7 = arith.minimumf %max3A_5, %min3A_6 : f32
    %mul3A_8 = arith.constant 8 : i32
    %mul3A_9 = arith.muli %min3A_2, %mul3A_8 : i32
    %multiple_of3A = tpu.assume_multiple %mul3A_9, 8 : i32
    "tpu.region"() ({
      %run_scoped3A = tpu.sem_alloc : memref<!tpu.dma_semaphore, #tpu.memory_space<semaphore_mem>>
      %dma_start3A_1597 = arith.constant 0 : i32
      %dma_start3A_1598 = tpu.memref_slice %arg3[%multiple_of3A, %dma_start3A_1597] : memref<50x128xi32, #tpu.memory_space<hbm>> -> memref<8x128xi32, #tpu.memory_space<hbm>>
      %dma_start3A_1599 = arith.constant 0 : i32
      %dma_start3A_1600 = tpu.memref_slice %arg3[%multiple_of3A, %dma_start3A_1599] : memref<50x128xi32, #tpu.memory_space<hbm>> -> memref<8x128xi32, #tpu.memory_space<hbm>>
      tpu.enqueue_dma source(%dma_start3A_1600 : memref<8x128xi32, #tpu.memory_space<hbm>>) target(%arg7 : memref<8x128xi32, #tpu.memory_space<vmem>>) target_semaphore(%run_scoped3A : memref<!tpu.dma_semaphore, #tpu.memory_space<semaphore_mem>>)
      %dma_wait3A_1601 = arith.constant 0 : i32
      %dma_wait3A_1602 = tpu.memref_slice %arg3[%multiple_of3A, %dma_wait3A_1601] : memref<50x128xi32, #tpu.memory_space<hbm>> -> memref<8x128xi32, #tpu.memory_space<hbm>>
      %dma_wait3A_1603 = arith.constant 0 : i32
      %dma_wait3A_1604 = tpu.memref_slice %arg3[%multiple_of3A, %dma_wait3A_1603] : memref<50x128xi32, #tpu.memory_space<hbm>> -> memref<8x128xi32, #tpu.memory_space<hbm>>
      tpu.wait_dma2 semaphore(%run_scoped3A : memref<!tpu.dma_semaphore, #tpu.memory_space<semaphore_mem>>) src(%dma_wait3A_1604 : memref<8x128xi32, #tpu.memory_space<hbm>>) dst(%arg7 : memref<8x128xi32, #tpu.memory_space<vmem>>)
      tpu.yield
    }) : () -> ()
    %multiple_of3A_10 = tpu.assume_multiple %mul3A_9, 8 : i32
    "tpu.region"() ({
      %run_scoped3A = tpu.sem_alloc : memref<!tpu.dma_semaphore, #tpu.memory_space<semaphore_mem>>
      %dma_start3A_1597 = arith.constant 0 : i32
      %dma_start3A_1598 = tpu.memref_slice %arg4[%multiple_of3A_10, %dma_start3A_1597] : memref<50x128xi32, #tpu.memory_space<hbm>> -> memref<8x128xi32, #tpu.memory_space<hbm>>
      %dma_start3A_1599 = arith.constant 0 : i32
      %dma_start3A_1600 = tpu.memref_slice %arg4[%multiple_of3A_10, %dma_start3A_1599] : memref<50x128xi32, #tpu.memory_space<hbm>> -> memref<8x128xi32, #tpu.memory_space<hbm>>
      tpu.enqueue_dma source(%dma_start3A_1600 : memref<8x128xi32, #tpu.memory_space<hbm>>) target(%arg8 : memref<8x128xi32, #tpu.memory_space<vmem>>) target_semaphore(%run_scoped3A : memref<!tpu.dma_semaphore, #tpu.memory_space<semaphore_mem>>)
      %dma_wait3A_1601 = arith.constant 0 : i32
      %dma_wait3A_1602 = tpu.memref_slice %arg4[%multiple_of3A_10, %dma_wait3A_1601] : memref<50x128xi32, #tpu.memory_space<hbm>> -> memref<8x128xi32, #tpu.memory_space<hbm>>
      %dma_wait3A_1603 = arith.constant 0 : i32
      %dma_wait3A_1604 = tpu.memref_slice %arg4[%multiple_of3A_10, %dma_wait3A_1603] : memref<50x128xi32, #tpu.memory_space<hbm>> -> memref<8x128xi32, #tpu.memory_space<hbm>>
      tpu.wait_dma2 semaphore(%run_scoped3A : memref<!tpu.dma_semaphore, #tpu.memory_space<semaphore_mem>>) src(%dma_wait3A_1604 : memref<8x128xi32, #tpu.memory_space<hbm>>) dst(%arg8 : memref<8x128xi32, #tpu.memory_space<vmem>>)
      tpu.yield
    }) : () -> ()
    "tpu.region"() ({
      %run_scoped3A = tpu.sem_alloc : memref<!tpu.dma_semaphore, #tpu.memory_space<semaphore_mem>>
      tpu.enqueue_dma source(%arg5 : memref<128xf32, #tpu.memory_space<hbm>>) target(%arg9 : memref<128xf32, #tpu.memory_space<vmem>>) target_semaphore(%run_scoped3A : memref<!tpu.dma_semaphore, #tpu.memory_space<semaphore_mem>>)
      tpu.wait_dma2 semaphore(%run_scoped3A : memref<!tpu.dma_semaphore, #tpu.memory_space<semaphore_mem>>) src(%arg5 : memref<128xf32, #tpu.memory_space<hbm>>) dst(%arg9 : memref<128xf32, #tpu.memory_space<vmem>>)
      tpu.yield
    }) : () -> ()
    %iota3A = tpu.iota {dimensions = array<i32: 0>} : vector<16xi32>
    %get3A = arith.constant 0 : index
    %get3A_11 = tpu.vector_load %arg9[%get3A] {strides = array<i32>} : memref<128xf32, #tpu.memory_space<vmem>>, vector<16xf32>,
    %get3A_12 = vector.shape_cast %get3A_11 : vector<16xf32> to vector<16xf32>
    %get3A_13 = arith.constant 16 : index
    %get3A_14 = tpu.vector_load %arg9[%get3A_13] {strides = array<i32>} : memref<128xf32, #tpu.memory_space<vmem>>, vector<16xf32>,
    %get3A_15 = vector.shape_cast %get3A_14 : vector<16xf32> to vector<16xf32>
    %get3A_16 = arith.constant 32 : index
    %get3A_17 = tpu.vector_load %arg9[%get3A_16] {strides = array<i32>} : memref<128xf32, #tpu.memory_space<vmem>>, vector<16xf32>,
    %get3A_18 = vector.shape_cast %get3A_17 : vector<16xf32> to vector<16xf32>
    %get3A_19 = arith.constant 48 : index
    %get3A_20 = tpu.vector_load %arg9[%get3A_19] {strides = array<i32>} : memref<128xf32, #tpu.memory_space<vmem>>, vector<16xf32>,
    %get3A_21 = vector.shape_cast %get3A_20 : vector<16xf32> to vector<16xf32>
    %get3A_22 = arith.constant 64 : index
    %get3A_23 = tpu.vector_load %arg9[%get3A_22] {strides = array<i32>} : memref<128xf32, #tpu.memory_space<vmem>>, vector<16xf32>,
    %get3A_24 = vector.shape_cast %get3A_23 : vector<16xf32> to vector<16xf32>
    %get3A_25 = arith.constant 80 : index
    %get3A_26 = tpu.vector_load %arg9[%get3A_25] {strides = array<i32>} : memref<128xf32, #tpu.memory_space<vmem>>, vector<16xf32>,
    %get3A_27 = vector.shape_cast %get3A_26 : vector<16xf32> to vector<16xf32>
    %get3A_28 = arith.constant 96 : index
    %get3A_29 = tpu.vector_load %arg9[%get3A_28] {strides = array<i32>} : memref<128xf32, #tpu.memory_space<vmem>>, vector<16xf32>,
    %get3A_30 = vector.shape_cast %get3A_29 : vector<16xf32> to vector<16xf32>
    %get3A_31 = arith.constant 112 : index
    %get3A_32 = tpu.vector_load %arg9[%get3A_31] {strides = array<i32>} : memref<128xf32, #tpu.memory_space<vmem>>, vector<16xf32>,
    %get3A_33 = vector.shape_cast %get3A_32 : vector<16xf32> to vector<16xf32>
    %broadcast_in_dim3A = arith.constant 0.000000e+00 : f32
    %broadcast_in_dim3A_34 = vector.broadcast %broadcast_in_dim3A : f32 to vector<16xf32>
    %add3A_35 = arith.addf %broadcast_in_dim3A_34, %get3A_12 : vector<16xf32>
    %add3A_36 = arith.addf %add3A_35, %get3A_15 : vector<16xf32>
    %add3A_37 = arith.addf %add3A_36, %get3A_18 : vector<16xf32>
    %add3A_38 = arith.addf %add3A_37, %get3A_21 : vector<16xf32>
    %add3A_39 = arith.addf %add3A_38, %get3A_24 : vector<16xf32>
    %add3A_40 = arith.addf %add3A_39, %get3A_27 : vector<16xf32>
    %add3A_41 = arith.addf %add3A_40, %get3A_30 : vector<16xf32>
    %add3A_42 = arith.addf %add3A_41, %get3A_33 : vector<16xf32>
    %xor3A = arith.constant 8 : i32
    %xor3A_43 = vector.broadcast %xor3A : i32 to vector<16xi32>
    %xor3A_44 = arith.xori %iota3A, %xor3A_43 : vector<16xi32>
    %lt3A = arith.constant 0 : i32
    %lt3A_45 = vector.broadcast %lt3A : i32 to vector<16xi32>
    %lt3A_46 = arith.cmpi slt, %xor3A_44, %lt3A_45 : vector<16xi32>
    %add3A_47 = arith.constant 16 : i32
    %add3A_48 = vector.broadcast %add3A_47 : i32 to vector<16xi32>
    %add3A_49 = arith.addi %xor3A_44, %add3A_48 : vector<16xi32>
    %select_n3A = arith.select %lt3A_46, %add3A_49, %xor3A_44 : vector<16xi1>, vector<16xi32>
    %broadcast_in_dim3A_50 = vector.shape_cast %select_n3A : vector<16xi32> to vector<16x1xi32>
    %gather3A = vector.shape_cast %broadcast_in_dim3A_50 : vector<16x1xi32> to vector<16xi32>
    %gather3A_51 = tpu.dynamic_gather %add3A_42[%gather3A] in [0] : vector<16xf32>, vector<16xi32> -> vector<16xf32>
    %add3A_52 = arith.addf %add3A_42, %gather3A_51 : vector<16xf32>
    %xor3A_53 = arith.constant 4 : i32
    %xor3A_54 = vector.broadcast %xor3A_53 : i32 to vector<16xi32>
    %xor3A_55 = arith.xori %iota3A, %xor3A_54 : vector<16xi32>
    %lt3A_56 = arith.constant 0 : i32
    %lt3A_57 = vector.broadcast %lt3A_56 : i32 to vector<16xi32>
    %lt3A_58 = arith.cmpi slt, %xor3A_55, %lt3A_57 : vector<16xi32>
    %add3A_59 = arith.constant 16 : i32
    %add3A_60 = vector.broadcast %add3A_59 : i32 to vector<16xi32>
    %add3A_61 = arith.addi %xor3A_55, %add3A_60 : vector<16xi32>
    %select_n3A_62 = arith.select %lt3A_58, %add3A_61, %xor3A_55 : vector<16xi1>, vector<16xi32>
    %broadcast_in_dim3A_63 = vector.shape_cast %select_n3A_62 : vector<16xi32> to vector<16x1xi32>
    %gather3A_64 = vector.shape_cast %broadcast_in_dim3A_63 : vector<16x1xi32> to vector<16xi32>
    %gather3A_65 = tpu.dynamic_gather %add3A_52[%gather3A_64] in [0] : vector<16xf32>, vector<16xi32> -> vector<16xf32>
    %add3A_66 = arith.addf %add3A_52, %gather3A_65 : vector<16xf32>
    %xor3A_67 = arith.constant 2 : i32
    %xor3A_68 = vector.broadcast %xor3A_67 : i32 to vector<16xi32>
    %xor3A_69 = arith.xori %iota3A, %xor3A_68 : vector<16xi32>
    %lt3A_70 = arith.constant 0 : i32
    %lt3A_71 = vector.broadcast %lt3A_70 : i32 to vector<16xi32>
    %lt3A_72 = arith.cmpi slt, %xor3A_69, %lt3A_71 : vector<16xi32>
    %add3A_73 = arith.constant 16 : i32
    %add3A_74 = vector.broadcast %add3A_73 : i32 to vector<16xi32>
    %add3A_75 = arith.addi %xor3A_69, %add3A_74 : vector<16xi32>
    %select_n3A_76 = arith.select %lt3A_72, %add3A_75, %xor3A_69 : vector<16xi1>, vector<16xi32>
    %broadcast_in_dim3A_77 = vector.shape_cast %select_n3A_76 : vector<16xi32> to vector<16x1xi32>
    %gather3A_78 = vector.shape_cast %broadcast_in_dim3A_77 : vector<16x1xi32> to vector<16xi32>
    %gather3A_79 = tpu.dynamic_gather %add3A_66[%gather3A_78] in [0] : vector<16xf32>, vector<16xi32> -> vector<16xf32>
    %add3A_80 = arith.addf %add3A_66, %gather3A_79 : vector<16xf32>
    %xor3A_81 = arith.constant 1 : i32
    %xor3A_82 = vector.broadcast %xor3A_81 : i32 to vector<16xi32>
    %xor3A_83 = arith.xori %iota3A, %xor3A_82 : vector<16xi32>
    %lt3A_84 = arith.constant 0 : i32
    %lt3A_85 = vector.broadcast %lt3A_84 : i32 to vector<16xi32>
    %lt3A_86 = arith.cmpi slt, %xor3A_83, %lt3A_85 : vector<16xi32>
    %add3A_87 = arith.constant 16 : i32
    %add3A_88 = vector.broadcast %add3A_87 : i32 to vector<16xi32>
    %add3A_89 = arith.addi %xor3A_83, %add3A_88 : vector<16xi32>
    %select_n3A_90 = arith.select %lt3A_86, %add3A_89, %xor3A_83 : vector<16xi1>, vector<16xi32>
    %broadcast_in_dim3A_91 = vector.shape_cast %select_n3A_90 : vector<16xi32> to vector<16x1xi32>
    %gather3A_92 = vector.shape_cast %broadcast_in_dim3A_91 : vector<16x1xi32> to vector<16xi32>
    %gather3A_93 = tpu.dynamic_gather %add3A_80[%gather3A_92] in [0] : vector<16xf32>, vector<16xi32> -> vector<16xf32>
    %add3A_94 = arith.addf %add3A_80, %gather3A_93 : vector<16xf32>
    %div3A = arith.constant 1.280000e+02 : f32
    %div3A_95 = vector.broadcast %div3A : f32 to vector<16xf32>
    %div3A_96 = arith.divf %add3A_94, %div3A_95 : vector<16xf32>
    %broadcast_in_dim3A_97 = arith.constant 0.000000e+00 : f32
    %broadcast_in_dim3A_98 = vector.broadcast %broadcast_in_dim3A_97 : f32 to vector<16xf32>
    %sub3A_99 = arith.subf %get3A_12, %div3A_96 : vector<16xf32>
    %mul3A_100 = arith.mulf %sub3A_99, %sub3A_99 : vector<16xf32>
    %add3A_101 = arith.addf %broadcast_in_dim3A_98, %mul3A_100 : vector<16xf32>
    %sub3A_102 = arith.subf %get3A_15, %div3A_96 : vector<16xf32>
    %mul3A_103 = arith.mulf %sub3A_102, %sub3A_102 : vector<16xf32>
    %add3A_104 = arith.addf %add3A_101, %mul3A_103 : vector<16xf32>
    %sub3A_105 = arith.subf %get3A_18, %div3A_96 : vector<16xf32>
    %mul3A_106 = arith.mulf %sub3A_105, %sub3A_105 : vector<16xf32>
    %add3A_107 = arith.addf %add3A_104, %mul3A_106 : vector<16xf32>
    %sub3A_108 = arith.subf %get3A_21, %div3A_96 : vector<16xf32>
    %mul3A_109 = arith.mulf %sub3A_108, %sub3A_108 : vector<16xf32>
    %add3A_110 = arith.addf %add3A_107, %mul3A_109 : vector<16xf32>
    %sub3A_111 = arith.subf %get3A_24, %div3A_96 : vector<16xf32>
    %mul3A_112 = arith.mulf %sub3A_111, %sub3A_111 : vector<16xf32>
    %add3A_113 = arith.addf %add3A_110, %mul3A_112 : vector<16xf32>
    %sub3A_114 = arith.subf %get3A_27, %div3A_96 : vector<16xf32>
    %mul3A_115 = arith.mulf %sub3A_114, %sub3A_114 : vector<16xf32>
    %add3A_116 = arith.addf %add3A_113, %mul3A_115 : vector<16xf32>
    %sub3A_117 = arith.subf %get3A_30, %div3A_96 : vector<16xf32>
    %mul3A_118 = arith.mulf %sub3A_117, %sub3A_117 : vector<16xf32>
    %add3A_119 = arith.addf %add3A_116, %mul3A_118 : vector<16xf32>
    %sub3A_120 = arith.subf %get3A_33, %div3A_96 : vector<16xf32>
    %mul3A_121 = arith.mulf %sub3A_120, %sub3A_120 : vector<16xf32>
    %add3A_122 = arith.addf %add3A_119, %mul3A_121 : vector<16xf32>
    %xor3A_123 = arith.constant 8 : i32
    %xor3A_124 = vector.broadcast %xor3A_123 : i32 to vector<16xi32>
    %xor3A_125 = arith.xori %iota3A, %xor3A_124 : vector<16xi32>
    %lt3A_126 = arith.constant 0 : i32
    %lt3A_127 = vector.broadcast %lt3A_126 : i32 to vector<16xi32>
    %lt3A_128 = arith.cmpi slt, %xor3A_125, %lt3A_127 : vector<16xi32>
    %add3A_129 = arith.constant 16 : i32
    %add3A_130 = vector.broadcast %add3A_129 : i32 to vector<16xi32>
    %add3A_131 = arith.addi %xor3A_125, %add3A_130 : vector<16xi32>
    %select_n3A_132 = arith.select %lt3A_128, %add3A_131, %xor3A_125 : vector<16xi1>, vector<16xi32>
    %broadcast_in_dim3A_133 = vector.shape_cast %select_n3A_132 : vector<16xi32> to vector<16x1xi32>
    %gather3A_134 = vector.shape_cast %broadcast_in_dim3A_133 : vector<16x1xi32> to vector<16xi32>
    %gather3A_135 = tpu.dynamic_gather %add3A_122[%gather3A_134] in [0] : vector<16xf32>, vector<16xi32> -> vector<16xf32>
    %add3A_136 = arith.addf %add3A_122, %gather3A_135 : vector<16xf32>
    %xor3A_137 = arith.constant 4 : i32
    %xor3A_138 = vector.broadcast %xor3A_137 : i32 to vector<16xi32>
    %xor3A_139 = arith.xori %iota3A, %xor3A_138 : vector<16xi32>
    %lt3A_140 = arith.constant 0 : i32
    %lt3A_141 = vector.broadcast %lt3A_140 : i32 to vector<16xi32>
    %lt3A_142 = arith.cmpi slt, %xor3A_139, %lt3A_141 : vector<16xi32>
    %add3A_143 = arith.constant 16 : i32
    %add3A_144 = vector.broadcast %add3A_143 : i32 to vector<16xi32>
    %add3A_145 = arith.addi %xor3A_139, %add3A_144 : vector<16xi32>
    %select_n3A_146 = arith.select %lt3A_142, %add3A_145, %xor3A_139 : vector<16xi1>, vector<16xi32>
    %broadcast_in_dim3A_147 = vector.shape_cast %select_n3A_146 : vector<16xi32> to vector<16x1xi32>
    %gather3A_148 = vector.shape_cast %broadcast_in_dim3A_147 : vector<16x1xi32> to vector<16xi32>
    %gather3A_149 = tpu.dynamic_gather %add3A_136[%gather3A_148] in [0] : vector<16xf32>, vector<16xi32> -> vector<16xf32>
    %add3A_150 = arith.addf %add3A_136, %gather3A_149 : vector<16xf32>
    %xor3A_151 = arith.constant 2 : i32
    %xor3A_152 = vector.broadcast %xor3A_151 : i32 to vector<16xi32>
    %xor3A_153 = arith.xori %iota3A, %xor3A_152 : vector<16xi32>
    %lt3A_154 = arith.constant 0 : i32
    %lt3A_155 = vector.broadcast %lt3A_154 : i32 to vector<16xi32>
    %lt3A_156 = arith.cmpi slt, %xor3A_153, %lt3A_155 : vector<16xi32>
    %add3A_157 = arith.constant 16 : i32
    %add3A_158 = vector.broadcast %add3A_157 : i32 to vector<16xi32>
    %add3A_159 = arith.addi %xor3A_153, %add3A_158 : vector<16xi32>
    %select_n3A_160 = arith.select %lt3A_156, %add3A_159, %xor3A_153 : vector<16xi1>, vector<16xi32>
    %broadcast_in_dim3A_161 = vector.shape_cast %select_n3A_160 : vector<16xi32> to vector<16x1xi32>
    %gather3A_162 = vector.shape_cast %broadcast_in_dim3A_161 : vector<16x1xi32> to vector<16xi32>
    %gather3A_163 = tpu.dynamic_gather %add3A_150[%gather3A_162] in [0] : vector<16xf32>, vector<16xi32> -> vector<16xf32>
    %add3A_164 = arith.addf %add3A_150, %gather3A_163 : vector<16xf32>
    %xor3A_165 = arith.constant 1 : i32
    %xor3A_166 = vector.broadcast %xor3A_165 : i32 to vector<16xi32>
    %xor3A_167 = arith.xori %iota3A, %xor3A_166 : vector<16xi32>
    %lt3A_168 = arith.constant 0 : i32
    %lt3A_169 = vector.broadcast %lt3A_168 : i32 to vector<16xi32>
    %lt3A_170 = arith.cmpi slt, %xor3A_167, %lt3A_169 : vector<16xi32>
    %add3A_171 = arith.constant 16 : i32
    %add3A_172 = vector.broadcast %add3A_171 : i32 to vector<16xi32>
    %add3A_173 = arith.addi %xor3A_167, %add3A_172 : vector<16xi32>
    %select_n3A_174 = arith.select %lt3A_170, %add3A_173, %xor3A_167 : vector<16xi1>, vector<16xi32>
    %broadcast_in_dim3A_175 = vector.shape_cast %select_n3A_174 : vector<16xi32> to vector<16x1xi32>
    %gather3A_176 = vector.shape_cast %broadcast_in_dim3A_175 : vector<16x1xi32> to vector<16xi32>
    %gather3A_177 = tpu.dynamic_gather %add3A_164[%gather3A_176] in [0] : vector<16xf32>, vector<16xi32> -> vector<16xf32>
    %add3A_178 = arith.addf %add3A_164, %gather3A_177 : vector<16xf32>
    %div3A_179 = arith.constant 1.270000e+02 : f32
    %div3A_180 = vector.broadcast %div3A_179 : f32 to vector<16xf32>
    %div3A_181 = arith.divf %add3A_178, %div3A_180 : vector<16xf32>
    %bitcast_convert_type3A = tpu.bitcast %div3A_181 : vector<16xf32> -> vector<16xi32>
    %shift_right_logical3A_182 = arith.constant 1 : i32
    %shift_right_logical3A_183 = vector.broadcast %shift_right_logical3A_182 : i32 to vector<16xi32>
    %shift_right_logical3A_184 = arith.shrui %bitcast_convert_type3A, %shift_right_logical3A_183 : vector<16xi32>
    %sub3A_185 = arith.constant 1597463007 : i32
    %sub3A_186 = vector.broadcast %sub3A_185 : i32 to vector<16xi32>
    %sub3A_187 = arith.subi %sub3A_186, %shift_right_logical3A_184 : vector<16xi32>
    %bitcast_convert_type3A_188 = tpu.bitcast %sub3A_187 : vector<16xi32> -> vector<16xf32>
    %mul3A_189 = arith.constant 5.000000e-01 : f32
    %mul3A_190 = vector.broadcast %mul3A_189 : f32 to vector<16xf32>
    %mul3A_191 = arith.mulf %mul3A_190, %div3A_181 : vector<16xf32>
    %mul3A_192 = arith.mulf %mul3A_191, %bitcast_convert_type3A_188 : vector<16xf32>
    %mul3A_193 = arith.mulf %mul3A_192, %bitcast_convert_type3A_188 : vector<16xf32>
    %sub3A_194 = arith.constant 1.500000e+00 : f32
    %sub3A_195 = vector.broadcast %sub3A_194 : f32 to vector<16xf32>
    %sub3A_196 = arith.subf %sub3A_195, %mul3A_193 : vector<16xf32>
    %mul3A_197 = arith.mulf %bitcast_convert_type3A_188, %sub3A_196 : vector<16xf32>
    %mul3A_198 = arith.constant 5.000000e-01 : f32
    %mul3A_199 = vector.broadcast %mul3A_198 : f32 to vector<16xf32>
    %mul3A_200 = arith.mulf %mul3A_199, %div3A_181 : vector<16xf32>
    %mul3A_201 = arith.mulf %mul3A_200, %mul3A_197 : vector<16xf32>
    %mul3A_202 = arith.mulf %mul3A_201, %mul3A_197 : vector<16xf32>
    %sub3A_203 = arith.constant 1.500000e+00 : f32
    %sub3A_204 = vector.broadcast %sub3A_203 : f32 to vector<16xf32>
    %sub3A_205 = arith.subf %sub3A_204, %mul3A_202 : vector<16xf32>
    %mul3A_206 = arith.mulf %mul3A_197, %sub3A_205 : vector<16xf32>
    %mul3A_207 = arith.constant 5.000000e-01 : f32
    %mul3A_208 = vector.broadcast %mul3A_207 : f32 to vector<16xf32>
    %mul3A_209 = arith.mulf %mul3A_208, %div3A_181 : vector<16xf32>
    %mul3A_210 = arith.mulf %mul3A_209, %mul3A_206 : vector<16xf32>
    %mul3A_211 = arith.mulf %mul3A_210, %mul3A_206 : vector<16xf32>
    %sub3A_212 = arith.constant 1.500000e+00 : f32
    %sub3A_213 = vector.broadcast %sub3A_212 : f32 to vector<16xf32>
    %sub3A_214 = arith.subf %sub3A_213, %mul3A_211 : vector<16xf32>
    %mul3A_215 = arith.mulf %mul3A_206, %sub3A_214 : vector<16xf32>
    %mul3A_216 = arith.constant 5.000000e-01 : f32
    %mul3A_217 = vector.broadcast %mul3A_216 : f32 to vector<16xf32>
    %mul3A_218 = arith.mulf %mul3A_217, %div3A_181 : vector<16xf32>
    %mul3A_219 = arith.mulf %mul3A_218, %mul3A_215 : vector<16xf32>
    %mul3A_220 = arith.mulf %mul3A_219, %mul3A_215 : vector<16xf32>
    %sub3A_221 = arith.constant 1.500000e+00 : f32
    %sub3A_222 = vector.broadcast %sub3A_221 : f32 to vector<16xf32>
    %sub3A_223 = arith.subf %sub3A_222, %mul3A_220 : vector<16xf32>
    %mul3A_224 = arith.mulf %mul3A_215, %sub3A_223 : vector<16xf32>
    %min3A_225 = arith.constant 1.000000e+08 : f32
    %min3A_226 = vector.broadcast %min3A_225 : f32 to vector<16xf32>
    %min3A_227 = arith.minimumf %mul3A_224, %min3A_226 : vector<16xf32>
    %sub3A_228 = arith.subf %get3A_12, %div3A_96 : vector<16xf32>
    %mul3A_229 = arith.mulf %sub3A_228, %min3A_227 : vector<16xf32>
    %swap3A = arith.constant 0 : index
    %swap3A_230 = tpu.vector_load %arg9[%swap3A] {strides = array<i32>} : memref<128xf32, #tpu.memory_space<vmem>>, vector<16xf32>,
    %swap3A_231 = vector.shape_cast %swap3A_230 : vector<16xf32> to vector<16xf32>
    %swap3A_232 = vector.shape_cast %mul3A_229 : vector<16xf32> to vector<16xf32>
    tpu.vector_store %arg9[%swap3A], %swap3A_232 {strides = array<i32>} : memref<128xf32, #tpu.memory_space<vmem>>, vector<16xf32>,
    %sub3A_233 = arith.subf %get3A_15, %div3A_96 : vector<16xf32>
    %mul3A_234 = arith.mulf %sub3A_233, %min3A_227 : vector<16xf32>
    %swap3A_235 = arith.constant 16 : index
    %swap3A_236 = tpu.vector_load %arg9[%swap3A_235] {strides = array<i32>} : memref<128xf32, #tpu.memory_space<vmem>>, vector<16xf32>,
    %swap3A_237 = vector.shape_cast %swap3A_236 : vector<16xf32> to vector<16xf32>
    %swap3A_238 = vector.shape_cast %mul3A_234 : vector<16xf32> to vector<16xf32>
    tpu.vector_store %arg9[%swap3A_235], %swap3A_238 {strides = array<i32>} : memref<128xf32, #tpu.memory_space<vmem>>, vector<16xf32>,
    %sub3A_239 = arith.subf %get3A_18, %div3A_96 : vector<16xf32>
    %mul3A_240 = arith.mulf %sub3A_239, %min3A_227 : vector<16xf32>
    %swap3A_241 = arith.constant 32 : index
    %swap3A_242 = tpu.vector_load %arg9[%swap3A_241] {strides = array<i32>} : memref<128xf32, #tpu.memory_space<vmem>>, vector<16xf32>,
    %swap3A_243 = vector.shape_cast %swap3A_242 : vector<16xf32> to vector<16xf32>
    %swap3A_244 = vector.shape_cast %mul3A_240 : vector<16xf32> to vector<16xf32>
    tpu.vector_store %arg9[%swap3A_241], %swap3A_244 {strides = array<i32>} : memref<128xf32, #tpu.memory_space<vmem>>, vector<16xf32>,
    %sub3A_245 = arith.subf %get3A_21, %div3A_96 : vector<16xf32>
    %mul3A_246 = arith.mulf %sub3A_245, %min3A_227 : vector<16xf32>
    %swap3A_247 = arith.constant 48 : index
    %swap3A_248 = tpu.vector_load %arg9[%swap3A_247] {strides = array<i32>} : memref<128xf32, #tpu.memory_space<vmem>>, vector<16xf32>,
    %swap3A_249 = vector.shape_cast %swap3A_248 : vector<16xf32> to vector<16xf32>
    %swap3A_250 = vector.shape_cast %mul3A_246 : vector<16xf32> to vector<16xf32>
    tpu.vector_store %arg9[%swap3A_247], %swap3A_250 {strides = array<i32>} : memref<128xf32, #tpu.memory_space<vmem>>, vector<16xf32>,
    %sub3A_251 = arith.subf %get3A_24, %div3A_96 : vector<16xf32>
    %mul3A_252 = arith.mulf %sub3A_251, %min3A_227 : vector<16xf32>
    %swap3A_253 = arith.constant 64 : index
    %swap3A_254 = tpu.vector_load %arg9[%swap3A_253] {strides = array<i32>} : memref<128xf32, #tpu.memory_space<vmem>>, vector<16xf32>,
    %swap3A_255 = vector.shape_cast %swap3A_254 : vector<16xf32> to vector<16xf32>
    %swap3A_256 = vector.shape_cast %mul3A_252 : vector<16xf32> to vector<16xf32>
    tpu.vector_store %arg9[%swap3A_253], %swap3A_256 {strides = array<i32>} : memref<128xf32, #tpu.memory_space<vmem>>, vector<16xf32>,
    %sub3A_257 = arith.subf %get3A_27, %div3A_96 : vector<16xf32>
    %mul3A_258 = arith.mulf %sub3A_257, %min3A_227 : vector<16xf32>
    %swap3A_259 = arith.constant 80 : index
    %swap3A_260 = tpu.vector_load %arg9[%swap3A_259] {strides = array<i32>} : memref<128xf32, #tpu.memory_space<vmem>>, vector<16xf32>,
    %swap3A_261 = vector.shape_cast %swap3A_260 : vector<16xf32> to vector<16xf32>
    %swap3A_262 = vector.shape_cast %mul3A_258 : vector<16xf32> to vector<16xf32>
    tpu.vector_store %arg9[%swap3A_259], %swap3A_262 {strides = array<i32>} : memref<128xf32, #tpu.memory_space<vmem>>, vector<16xf32>,
    %sub3A_263 = arith.subf %get3A_30, %div3A_96 : vector<16xf32>
    %mul3A_264 = arith.mulf %sub3A_263, %min3A_227 : vector<16xf32>
    %swap3A_265 = arith.constant 96 : index
    %swap3A_266 = tpu.vector_load %arg9[%swap3A_265] {strides = array<i32>} : memref<128xf32, #tpu.memory_space<vmem>>, vector<16xf32>,
    %swap3A_267 = vector.shape_cast %swap3A_266 : vector<16xf32> to vector<16xf32>
    %swap3A_268 = vector.shape_cast %mul3A_264 : vector<16xf32> to vector<16xf32>
    tpu.vector_store %arg9[%swap3A_265], %swap3A_268 {strides = array<i32>} : memref<128xf32, #tpu.memory_space<vmem>>, vector<16xf32>,
    %sub3A_269 = arith.subf %get3A_33, %div3A_96 : vector<16xf32>
    %mul3A_270 = arith.mulf %sub3A_269, %min3A_227 : vector<16xf32>
    %swap3A_271 = arith.constant 112 : index
    %swap3A_272 = tpu.vector_load %arg9[%swap3A_271] {strides = array<i32>} : memref<128xf32, #tpu.memory_space<vmem>>, vector<16xf32>,
    %swap3A_273 = vector.shape_cast %swap3A_272 : vector<16xf32> to vector<16xf32>
    %swap3A_274 = vector.shape_cast %mul3A_270 : vector<16xf32> to vector<16xf32>
    tpu.vector_store %arg9[%swap3A_271], %swap3A_274 {strides = array<i32>} : memref<128xf32, #tpu.memory_space<vmem>>, vector<16xf32>,
    %add3A_275 = arith.constant 0 : i32
    %add3A_276 = arith.addi %mul3A_9, %add3A_275 : i32
    %min3A_277 = arith.constant 49 : i32
    %min3A_278 = arith.minsi %add3A_276, %min3A_277 : i32
    %mul3A_279 = arith.constant 32 : i32
    %mul3A_280 = arith.muli %and3A_3, %mul3A_279 : i32
    %add3A_281 = arith.constant 0 : i32
    %add3A_282 = arith.addi %mul3A_280, %add3A_281 : i32
    %get3A_283 = arith.constant 0 : i32
    %get3A_284 = arith.index_cast %get3A_283 : i32 to index
    %get3A_285 = arith.index_cast %add3A_282 : i32 to index
    %get3A_286 = tpu.vector_load %arg7[%get3A_284, %get3A_285] {strides = array<i32>} : memref<8x128xi32, #tpu.memory_space<vmem>>, vector<1x16xi32>,
    %get3A_287 = vector.shape_cast %get3A_286 : vector<1x16xi32> to vector<16xi32>
    %min3A_288 = arith.constant 9999 : i32
    %min3A_289 = vector.broadcast %min3A_288 : i32 to vector<16xi32>
    %min3A_290 = arith.minsi %get3A_287, %min3A_289 : vector<16xi32>
    %max3A_291 = arith.constant 0 : i32
    %max3A_292 = vector.broadcast %max3A_291 : i32 to vector<16xi32>
    %max3A_293 = arith.maxsi %min3A_290, %max3A_292 : vector<16xi32>
    %mul3A_294 = arith.constant 10000 : i32
    %mul3A_295 = arith.muli %min3A_278, %mul3A_294 : i32
    %add3A_296 = vector.broadcast %mul3A_295 : i32 to vector<16xi32>
    %add3A_297 = arith.addi %add3A_296, %max3A_293 : vector<16xi32>
    %shift_left3A = arith.constant 7 : i32
    %shift_left3A_298 = vector.broadcast %shift_left3A : i32 to vector<16xi32>
    %shift_left3A_299 = arith.shli %add3A_297, %shift_left3A_298 : vector<16xi32>
    %add3A_300 = vector.broadcast %add3A_282 : i32 to vector<16xi32>
    %add3A_301 = arith.addi %shift_left3A_299, %add3A_300 : vector<16xi32>
    %add3A_302 = arith.addi %add3A_301, %iota3A : vector<16xi32>
    %dma_start3A = arith.constant 0 : i32
    %dma_start3A_303 = arith.constant 0 : i32
    %dma_start3A_304 = tpu.memref_slice %arg15[%dma_start3A, %dma_start3A_303] : memref<16x16xf32, #tpu.memory_space<vmem>> -> memref<1x16xf32, #tpu.memory_space<vmem>>
    %dma_start3A_305 = tpu.memref_squeeze %dma_start3A_304 : memref<1x16xf32, #tpu.memory_space<vmem>> -> memref<16xf32, #tpu.memory_space<vmem>>
    %dma_start3A_306 = arith.constant 0 : i32
    %dma_start3A_307 = tpu.memref_slice %arg2[%dma_start3A_306] : memref<64000000xf32, #tpu.memory_space<hbm>> -> memref<64000000xf32, #tpu.memory_space<hbm>>
    tpu.enqueue_indirect_dma source(%dma_start3A_307 : memref<64000000xf32, #tpu.memory_space<hbm>>) target(%dma_start3A_305 : memref<16xf32, #tpu.memory_space<vmem>>) offsets(%add3A_302 : vector<16xi32>) semaphore(%arg14 : memref<!tpu.dma_semaphore, #tpu.memory_space<semaphore_mem>>)
    %mul3A_308 = arith.constant 32 : i32
    %mul3A_309 = arith.muli %and3A_3, %mul3A_308 : i32
    %add3A_310 = arith.constant 16 : i32
    %add3A_311 = arith.addi %mul3A_309, %add3A_310 : i32
    %get3A_312 = arith.constant 0 : i32
    %get3A_313 = arith.index_cast %get3A_312 : i32 to index
    %get3A_314 = arith.index_cast %add3A_311 : i32 to index
    %get3A_315 = tpu.vector_load %arg7[%get3A_313, %get3A_314] {strides = array<i32>} : memref<8x128xi32, #tpu.memory_space<vmem>>, vector<1x16xi32>,
    %get3A_316 = vector.shape_cast %get3A_315 : vector<1x16xi32> to vector<16xi32>
    %min3A_317 = arith.constant 9999 : i32
    %min3A_318 = vector.broadcast %min3A_317 : i32 to vector<16xi32>
    %min3A_319 = arith.minsi %get3A_316, %min3A_318 : vector<16xi32>
    %max3A_320 = arith.constant 0 : i32
    %max3A_321 = vector.broadcast %max3A_320 : i32 to vector<16xi32>
    %max3A_322 = arith.maxsi %min3A_319, %max3A_321 : vector<16xi32>
    %mul3A_323 = arith.constant 10000 : i32
    %mul3A_324 = arith.muli %min3A_278, %mul3A_323 : i32
    %add3A_325 = vector.broadcast %mul3A_324 : i32 to vector<16xi32>
    %add3A_326 = arith.addi %add3A_325, %max3A_322 : vector<16xi32>
    %shift_left3A_327 = arith.constant 7 : i32
    %shift_left3A_328 = vector.broadcast %shift_left3A_327 : i32 to vector<16xi32>
    %shift_left3A_329 = arith.shli %add3A_326, %shift_left3A_328 : vector<16xi32>
    %add3A_330 = vector.broadcast %add3A_311 : i32 to vector<16xi32>
    %add3A_331 = arith.addi %shift_left3A_329, %add3A_330 : vector<16xi32>
    %add3A_332 = arith.addi %add3A_331, %iota3A : vector<16xi32>
    %dma_start3A_333 = arith.constant 1 : i32
    %dma_start3A_334 = arith.constant 0 : i32
    %dma_start3A_335 = tpu.memref_slice %arg15[%dma_start3A_333, %dma_start3A_334] : memref<16x16xf32, #tpu.memory_space<vmem>> -> memref<1x16xf32, #tpu.memory_space<vmem>>
    %dma_start3A_336 = tpu.memref_squeeze %dma_start3A_335 : memref<1x16xf32, #tpu.memory_space<vmem>> -> memref<16xf32, #tpu.memory_space<vmem>>
    %dma_start3A_337 = arith.constant 0 : i32
    %dma_start3A_338 = tpu.memref_slice %arg2[%dma_start3A_337] : memref<64000000xf32, #tpu.memory_space<hbm>> -> memref<64000000xf32, #tpu.memory_space<hbm>>
    tpu.enqueue_indirect_dma source(%dma_start3A_338 : memref<64000000xf32, #tpu.memory_space<hbm>>) target(%dma_start3A_336 : memref<16xf32, #tpu.memory_space<vmem>>) offsets(%add3A_332 : vector<16xi32>) semaphore(%arg14 : memref<!tpu.dma_semaphore, #tpu.memory_space<semaphore_mem>>)
    %add3A_339 = arith.constant 1 : i32
    %add3A_340 = arith.addi %mul3A_9, %add3A_339 : i32
    %min3A_341 = arith.constant 49 : i32
    %min3A_342 = arith.minsi %add3A_340, %min3A_341 : i32
    %mul3A_343 = arith.constant 32 : i32
    %mul3A_344 = arith.muli %and3A_3, %mul3A_343 : i32
    %add3A_345 = arith.constant 0 : i32
    %add3A_346 = arith.addi %mul3A_344, %add3A_345 : i32
    %get3A_347 = arith.constant 1 : i32
    %get3A_348 = arith.index_cast %get3A_347 : i32 to index
    %get3A_349 = arith.index_cast %add3A_346 : i32 to index
    %get3A_350 = tpu.vector_load %arg7[%get3A_348, %get3A_349] {strides = array<i32>} : memref<8x128xi32, #tpu.memory_space<vmem>>, vector<1x16xi32>,
    %get3A_351 = vector.shape_cast %get3A_350 : vector<1x16xi32> to vector<16xi32>
    %min3A_352 = arith.constant 9999 : i32
    %min3A_353 = vector.broadcast %min3A_352 : i32 to vector<16xi32>
    %min3A_354 = arith.minsi %get3A_351, %min3A_353 : vector<16xi32>
    %max3A_355 = arith.constant 0 : i32
    %max3A_356 = vector.broadcast %max3A_355 : i32 to vector<16xi32>
    %max3A_357 = arith.maxsi %min3A_354, %max3A_356 : vector<16xi32>
    %mul3A_358 = arith.constant 10000 : i32
    %mul3A_359 = arith.muli %min3A_342, %mul3A_358 : i32
    %add3A_360 = vector.broadcast %mul3A_359 : i32 to vector<16xi32>
    %add3A_361 = arith.addi %add3A_360, %max3A_357 : vector<16xi32>
    %shift_left3A_362 = arith.constant 7 : i32
    %shift_left3A_363 = vector.broadcast %shift_left3A_362 : i32 to vector<16xi32>
    %shift_left3A_364 = arith.shli %add3A_361, %shift_left3A_363 : vector<16xi32>
    %add3A_365 = vector.broadcast %add3A_346 : i32 to vector<16xi32>
    %add3A_366 = arith.addi %shift_left3A_364, %add3A_365 : vector<16xi32>
    %add3A_367 = arith.addi %add3A_366, %iota3A : vector<16xi32>
    %dma_start3A_368 = arith.constant 2 : i32
    %dma_start3A_369 = arith.constant 0 : i32
    %dma_start3A_370 = tpu.memref_slice %arg15[%dma_start3A_368, %dma_start3A_369] : memref<16x16xf32, #tpu.memory_space<vmem>> -> memref<1x16xf32, #tpu.memory_space<vmem>>
    %dma_start3A_371 = tpu.memref_squeeze %dma_start3A_370 : memref<1x16xf32, #tpu.memory_space<vmem>> -> memref<16xf32, #tpu.memory_space<vmem>>
    %dma_start3A_372 = arith.constant 0 : i32
    %dma_start3A_373 = tpu.memref_slice %arg2[%dma_start3A_372] : memref<64000000xf32, #tpu.memory_space<hbm>> -> memref<64000000xf32, #tpu.memory_space<hbm>>
    tpu.enqueue_indirect_dma source(%dma_start3A_373 : memref<64000000xf32, #tpu.memory_space<hbm>>) target(%dma_start3A_371 : memref<16xf32, #tpu.memory_space<vmem>>) offsets(%add3A_367 : vector<16xi32>) semaphore(%arg14 : memref<!tpu.dma_semaphore, #tpu.memory_space<semaphore_mem>>)
    %mul3A_374 = arith.constant 32 : i32
    %mul3A_375 = arith.muli %and3A_3, %mul3A_374 : i32
    %add3A_376 = arith.constant 16 : i32
    %add3A_377 = arith.addi %mul3A_375, %add3A_376 : i32
    %get3A_378 = arith.constant 1 : i32
    %get3A_379 = arith.index_cast %get3A_378 : i32 to index
    %get3A_380 = arith.index_cast %add3A_377 : i32 to index
    %get3A_381 = tpu.vector_load %arg7[%get3A_379, %get3A_380] {strides = array<i32>} : memref<8x128xi32, #tpu.memory_space<vmem>>, vector<1x16xi32>,
    %get3A_382 = vector.shape_cast %get3A_381 : vector<1x16xi32> to vector<16xi32>
    %min3A_383 = arith.constant 9999 : i32
    %min3A_384 = vector.broadcast %min3A_383 : i32 to vector<16xi32>
    %min3A_385 = arith.minsi %get3A_382, %min3A_384 : vector<16xi32>
    %max3A_386 = arith.constant 0 : i32
    %max3A_387 = vector.broadcast %max3A_386 : i32 to vector<16xi32>
    %max3A_388 = arith.maxsi %min3A_385, %max3A_387 : vector<16xi32>
    %mul3A_389 = arith.constant 10000 : i32
    %mul3A_390 = arith.muli %min3A_342, %mul3A_389 : i32
    %add3A_391 = vector.broadcast %mul3A_390 : i32 to vector<16xi32>
    %add3A_392 = arith.addi %add3A_391, %max3A_388 : vector<16xi32>
    %shift_left3A_393 = arith.constant 7 : i32
    %shift_left3A_394 = vector.broadcast %shift_left3A_393 : i32 to vector<16xi32>
    %shift_left3A_395 = arith.shli %add3A_392, %shift_left3A_394 : vector<16xi32>
    %add3A_396 = vector.broadcast %add3A_377 : i32 to vector<16xi32>
    %add3A_397 = arith.addi %shift_left3A_395, %add3A_396 : vector<16xi32>
    %add3A_398 = arith.addi %add3A_397, %iota3A : vector<16xi32>
    %dma_start3A_399 = arith.constant 3 : i32
    %dma_start3A_400 = arith.constant 0 : i32
    %dma_start3A_401 = tpu.memref_slice %arg15[%dma_start3A_399, %dma_start3A_400] : memref<16x16xf32, #tpu.memory_space<vmem>> -> memref<1x16xf32, #tpu.memory_space<vmem>>
    %dma_start3A_402 = tpu.memref_squeeze %dma_start3A_401 : memref<1x16xf32, #tpu.memory_space<vmem>> -> memref<16xf32, #tpu.memory_space<vmem>>
    %dma_start3A_403 = arith.constant 0 : i32
    %dma_start3A_404 = tpu.memref_slice %arg2[%dma_start3A_403] : memref<64000000xf32, #tpu.memory_space<hbm>> -> memref<64000000xf32, #tpu.memory_space<hbm>>
    tpu.enqueue_indirect_dma source(%dma_start3A_404 : memref<64000000xf32, #tpu.memory_space<hbm>>) target(%dma_start3A_402 : memref<16xf32, #tpu.memory_space<vmem>>) offsets(%add3A_398 : vector<16xi32>) semaphore(%arg14 : memref<!tpu.dma_semaphore, #tpu.memory_space<semaphore_mem>>)
    %add3A_405 = arith.constant 2 : i32
    %add3A_406 = arith.addi %mul3A_9, %add3A_405 : i32
    %min3A_407 = arith.constant 49 : i32
    %min3A_408 = arith.minsi %add3A_406, %min3A_407 : i32
    %mul3A_409 = arith.constant 32 : i32
    %mul3A_410 = arith.muli %and3A_3, %mul3A_409 : i32
    %add3A_411 = arith.constant 0 : i32
    %add3A_412 = arith.addi %mul3A_410, %add3A_411 : i32
    %get3A_413 = arith.constant 2 : i32
    %get3A_414 = arith.index_cast %get3A_413 : i32 to index
    %get3A_415 = arith.index_cast %add3A_412 : i32 to index
    %get3A_416 = tpu.vector_load %arg7[%get3A_414, %get3A_415] {strides = array<i32>} : memref<8x128xi32, #tpu.memory_space<vmem>>, vector<1x16xi32>,
    %get3A_417 = vector.shape_cast %get3A_416 : vector<1x16xi32> to vector<16xi32>
    %min3A_418 = arith.constant 9999 : i32
    %min3A_419 = vector.broadcast %min3A_418 : i32 to vector<16xi32>
    %min3A_420 = arith.minsi %get3A_417, %min3A_419 : vector<16xi32>
    %max3A_421 = arith.constant 0 : i32
    %max3A_422 = vector.broadcast %max3A_421 : i32 to vector<16xi32>
    %max3A_423 = arith.maxsi %min3A_420, %max3A_422 : vector<16xi32>
    %mul3A_424 = arith.constant 10000 : i32
    %mul3A_425 = arith.muli %min3A_408, %mul3A_424 : i32
    %add3A_426 = vector.broadcast %mul3A_425 : i32 to vector<16xi32>
    %add3A_427 = arith.addi %add3A_426, %max3A_423 : vector<16xi32>
    %shift_left3A_428 = arith.constant 7 : i32
    %shift_left3A_429 = vector.broadcast %shift_left3A_428 : i32 to vector<16xi32>
    %shift_left3A_430 = arith.shli %add3A_427, %shift_left3A_429 : vector<16xi32>
    %add3A_431 = vector.broadcast %add3A_412 : i32 to vector<16xi32>
    %add3A_432 = arith.addi %shift_left3A_430, %add3A_431 : vector<16xi32>
    %add3A_433 = arith.addi %add3A_432, %iota3A : vector<16xi32>
    %dma_start3A_434 = arith.constant 4 : i32
    %dma_start3A_435 = arith.constant 0 : i32
    %dma_start3A_436 = tpu.memref_slice %arg15[%dma_start3A_434, %dma_start3A_435] : memref<16x16xf32, #tpu.memory_space<vmem>> -> memref<1x16xf32, #tpu.memory_space<vmem>>
    %dma_start3A_437 = tpu.memref_squeeze %dma_start3A_436 : memref<1x16xf32, #tpu.memory_space<vmem>> -> memref<16xf32, #tpu.memory_space<vmem>>
    %dma_start3A_438 = arith.constant 0 : i32
    %dma_start3A_439 = tpu.memref_slice %arg2[%dma_start3A_438] : memref<64000000xf32, #tpu.memory_space<hbm>> -> memref<64000000xf32, #tpu.memory_space<hbm>>
    tpu.enqueue_indirect_dma source(%dma_start3A_439 : memref<64000000xf32, #tpu.memory_space<hbm>>) target(%dma_start3A_437 : memref<16xf32, #tpu.memory_space<vmem>>) offsets(%add3A_433 : vector<16xi32>) semaphore(%arg14 : memref<!tpu.dma_semaphore, #tpu.memory_space<semaphore_mem>>)
    %mul3A_440 = arith.constant 32 : i32
    %mul3A_441 = arith.muli %and3A_3, %mul3A_440 : i32
    %add3A_442 = arith.constant 16 : i32
    %add3A_443 = arith.addi %mul3A_441, %add3A_442 : i32
    %get3A_444 = arith.constant 2 : i32
    %get3A_445 = arith.index_cast %get3A_444 : i32 to index
    %get3A_446 = arith.index_cast %add3A_443 : i32 to index
    %get3A_447 = tpu.vector_load %arg7[%get3A_445, %get3A_446] {strides = array<i32>} : memref<8x128xi32, #tpu.memory_space<vmem>>, vector<1x16xi32>,
    %get3A_448 = vector.shape_cast %get3A_447 : vector<1x16xi32> to vector<16xi32>
    %min3A_449 = arith.constant 9999 : i32
    %min3A_450 = vector.broadcast %min3A_449 : i32 to vector<16xi32>
    %min3A_451 = arith.minsi %get3A_448, %min3A_450 : vector<16xi32>
    %max3A_452 = arith.constant 0 : i32
    %max3A_453 = vector.broadcast %max3A_452 : i32 to vector<16xi32>
    %max3A_454 = arith.maxsi %min3A_451, %max3A_453 : vector<16xi32>
    %mul3A_455 = arith.constant 10000 : i32
    %mul3A_456 = arith.muli %min3A_408, %mul3A_455 : i32
    %add3A_457 = vector.broadcast %mul3A_456 : i32 to vector<16xi32>
    %add3A_458 = arith.addi %add3A_457, %max3A_454 : vector<16xi32>
    %shift_left3A_459 = arith.constant 7 : i32
    %shift_left3A_460 = vector.broadcast %shift_left3A_459 : i32 to vector<16xi32>
    %shift_left3A_461 = arith.shli %add3A_458, %shift_left3A_460 : vector<16xi32>
    %add3A_462 = vector.broadcast %add3A_443 : i32 to vector<16xi32>
    %add3A_463 = arith.addi %shift_left3A_461, %add3A_462 : vector<16xi32>
    %add3A_464 = arith.addi %add3A_463, %iota3A : vector<16xi32>
    %dma_start3A_465 = arith.constant 5 : i32
    %dma_start3A_466 = arith.constant 0 : i32
    %dma_start3A_467 = tpu.memref_slice %arg15[%dma_start3A_465, %dma_start3A_466] : memref<16x16xf32, #tpu.memory_space<vmem>> -> memref<1x16xf32, #tpu.memory_space<vmem>>
    %dma_start3A_468 = tpu.memref_squeeze %dma_start3A_467 : memref<1x16xf32, #tpu.memory_space<vmem>> -> memref<16xf32, #tpu.memory_space<vmem>>
    %dma_start3A_469 = arith.constant 0 : i32
    %dma_start3A_470 = tpu.memref_slice %arg2[%dma_start3A_469] : memref<64000000xf32, #tpu.memory_space<hbm>> -> memref<64000000xf32, #tpu.memory_space<hbm>>
    tpu.enqueue_indirect_dma source(%dma_start3A_470 : memref<64000000xf32, #tpu.memory_space<hbm>>) target(%dma_start3A_468 : memref<16xf32, #tpu.memory_space<vmem>>) offsets(%add3A_464 : vector<16xi32>) semaphore(%arg14 : memref<!tpu.dma_semaphore, #tpu.memory_space<semaphore_mem>>)
    %add3A_471 = arith.constant 3 : i32
    %add3A_472 = arith.addi %mul3A_9, %add3A_471 : i32
    %min3A_473 = arith.constant 49 : i32
    %min3A_474 = arith.minsi %add3A_472, %min3A_473 : i32
    %mul3A_475 = arith.constant 32 : i32
    %mul3A_476 = arith.muli %and3A_3, %mul3A_475 : i32
    %add3A_477 = arith.constant 0 : i32
    %add3A_478 = arith.addi %mul3A_476, %add3A_477 : i32
    %get3A_479 = arith.constant 3 : i32
    %get3A_480 = arith.index_cast %get3A_479 : i32 to index
    %get3A_481 = arith.index_cast %add3A_478 : i32 to index
    %get3A_482 = tpu.vector_load %arg7[%get3A_480, %get3A_481] {strides = array<i32>} : memref<8x128xi32, #tpu.memory_space<vmem>>, vector<1x16xi32>,
    %get3A_483 = vector.shape_cast %get3A_482 : vector<1x16xi32> to vector<16xi32>
    %min3A_484 = arith.constant 9999 : i32
    %min3A_485 = vector.broadcast %min3A_484 : i32 to vector<16xi32>
    %min3A_486 = arith.minsi %get3A_483, %min3A_485 : vector<16xi32>
    %max3A_487 = arith.constant 0 : i32
    %max3A_488 = vector.broadcast %max3A_487 : i32 to vector<16xi32>
    %max3A_489 = arith.maxsi %min3A_486, %max3A_488 : vector<16xi32>
    %mul3A_490 = arith.constant 10000 : i32
    %mul3A_491 = arith.muli %min3A_474, %mul3A_490 : i32
    %add3A_492 = vector.broadcast %mul3A_491 : i32 to vector<16xi32>
    %add3A_493 = arith.addi %add3A_492, %max3A_489 : vector<16xi32>
    %shift_left3A_494 = arith.constant 7 : i32
    %shift_left3A_495 = vector.broadcast %shift_left3A_494 : i32 to vector<16xi32>
    %shift_left3A_496 = arith.shli %add3A_493, %shift_left3A_495 : vector<16xi32>
    %add3A_497 = vector.broadcast %add3A_478 : i32 to vector<16xi32>
    %add3A_498 = arith.addi %shift_left3A_496, %add3A_497 : vector<16xi32>
    %add3A_499 = arith.addi %add3A_498, %iota3A : vector<16xi32>
    %dma_start3A_500 = arith.constant 6 : i32
    %dma_start3A_501 = arith.constant 0 : i32
    %dma_start3A_502 = tpu.memref_slice %arg15[%dma_start3A_500, %dma_start3A_501] : memref<16x16xf32, #tpu.memory_space<vmem>> -> memref<1x16xf32, #tpu.memory_space<vmem>>
    %dma_start3A_503 = tpu.memref_squeeze %dma_start3A_502 : memref<1x16xf32, #tpu.memory_space<vmem>> -> memref<16xf32, #tpu.memory_space<vmem>>
    %dma_start3A_504 = arith.constant 0 : i32
    %dma_start3A_505 = tpu.memref_slice %arg2[%dma_start3A_504] : memref<64000000xf32, #tpu.memory_space<hbm>> -> memref<64000000xf32, #tpu.memory_space<hbm>>
    tpu.enqueue_indirect_dma source(%dma_start3A_505 : memref<64000000xf32, #tpu.memory_space<hbm>>) target(%dma_start3A_503 : memref<16xf32, #tpu.memory_space<vmem>>) offsets(%add3A_499 : vector<16xi32>) semaphore(%arg14 : memref<!tpu.dma_semaphore, #tpu.memory_space<semaphore_mem>>)
    %mul3A_506 = arith.constant 32 : i32
    %mul3A_507 = arith.muli %and3A_3, %mul3A_506 : i32
    %add3A_508 = arith.constant 16 : i32
    %add3A_509 = arith.addi %mul3A_507, %add3A_508 : i32
    %get3A_510 = arith.constant 3 : i32
    %get3A_511 = arith.index_cast %get3A_510 : i32 to index
    %get3A_512 = arith.index_cast %add3A_509 : i32 to index
    %get3A_513 = tpu.vector_load %arg7[%get3A_511, %get3A_512] {strides = array<i32>} : memref<8x128xi32, #tpu.memory_space<vmem>>, vector<1x16xi32>,
    %get3A_514 = vector.shape_cast %get3A_513 : vector<1x16xi32> to vector<16xi32>
    %min3A_515 = arith.constant 9999 : i32
    %min3A_516 = vector.broadcast %min3A_515 : i32 to vector<16xi32>
    %min3A_517 = arith.minsi %get3A_514, %min3A_516 : vector<16xi32>
    %max3A_518 = arith.constant 0 : i32
    %max3A_519 = vector.broadcast %max3A_518 : i32 to vector<16xi32>
    %max3A_520 = arith.maxsi %min3A_517, %max3A_519 : vector<16xi32>
    %mul3A_521 = arith.constant 10000 : i32
    %mul3A_522 = arith.muli %min3A_474, %mul3A_521 : i32
    %add3A_523 = vector.broadcast %mul3A_522 : i32 to vector<16xi32>
    %add3A_524 = arith.addi %add3A_523, %max3A_520 : vector<16xi32>
    %shift_left3A_525 = arith.constant 7 : i32
    %shift_left3A_526 = vector.broadcast %shift_left3A_525 : i32 to vector<16xi32>
    %shift_left3A_527 = arith.shli %add3A_524, %shift_left3A_526 : vector<16xi32>
    %add3A_528 = vector.broadcast %add3A_509 : i32 to vector<16xi32>
    %add3A_529 = arith.addi %shift_left3A_527, %add3A_528 : vector<16xi32>
    %add3A_530 = arith.addi %add3A_529, %iota3A : vector<16xi32>
    %dma_start3A_531 = arith.constant 7 : i32
    %dma_start3A_532 = arith.constant 0 : i32
    %dma_start3A_533 = tpu.memref_slice %arg15[%dma_start3A_531, %dma_start3A_532] : memref<16x16xf32, #tpu.memory_space<vmem>> -> memref<1x16xf32, #tpu.memory_space<vmem>>
    %dma_start3A_534 = tpu.memref_squeeze %dma_start3A_533 : memref<1x16xf32, #tpu.memory_space<vmem>> -> memref<16xf32, #tpu.memory_space<vmem>>
    %dma_start3A_535 = arith.constant 0 : i32
    %dma_start3A_536 = tpu.memref_slice %arg2[%dma_start3A_535] : memref<64000000xf32, #tpu.memory_space<hbm>> -> memref<64000000xf32, #tpu.memory_space<hbm>>
    tpu.enqueue_indirect_dma source(%dma_start3A_536 : memref<64000000xf32, #tpu.memory_space<hbm>>) target(%dma_start3A_534 : memref<16xf32, #tpu.memory_space<vmem>>) offsets(%add3A_530 : vector<16xi32>) semaphore(%arg14 : memref<!tpu.dma_semaphore, #tpu.memory_space<semaphore_mem>>)
    %add3A_537 = arith.constant 4 : i32
    %add3A_538 = arith.addi %mul3A_9, %add3A_537 : i32
    %min3A_539 = arith.constant 49 : i32
    %min3A_540 = arith.minsi %add3A_538, %min3A_539 : i32
    %mul3A_541 = arith.constant 32 : i32
    %mul3A_542 = arith.muli %and3A_3, %mul3A_541 : i32
    %add3A_543 = arith.constant 0 : i32
    %add3A_544 = arith.addi %mul3A_542, %add3A_543 : i32
    %get3A_545 = arith.constant 4 : i32
    %get3A_546 = arith.index_cast %get3A_545 : i32 to index
    %get3A_547 = arith.index_cast %add3A_544 : i32 to index
    %get3A_548 = tpu.vector_load %arg7[%get3A_546, %get3A_547] {strides = array<i32>} : memref<8x128xi32, #tpu.memory_space<vmem>>, vector<1x16xi32>,
    %get3A_549 = vector.shape_cast %get3A_548 : vector<1x16xi32> to vector<16xi32>
    %min3A_550 = arith.constant 9999 : i32
    %min3A_551 = vector.broadcast %min3A_550 : i32 to vector<16xi32>
    %min3A_552 = arith.minsi %get3A_549, %min3A_551 : vector<16xi32>
    %max3A_553 = arith.constant 0 : i32
    %max3A_554 = vector.broadcast %max3A_553 : i32 to vector<16xi32>
    %max3A_555 = arith.maxsi %min3A_552, %max3A_554 : vector<16xi32>
    %mul3A_556 = arith.constant 10000 : i32
    %mul3A_557 = arith.muli %min3A_540, %mul3A_556 : i32
    %add3A_558 = vector.broadcast %mul3A_557 : i32 to vector<16xi32>
    %add3A_559 = arith.addi %add3A_558, %max3A_555 : vector<16xi32>
    %shift_left3A_560 = arith.constant 7 : i32
    %shift_left3A_561 = vector.broadcast %shift_left3A_560 : i32 to vector<16xi32>
    %shift_left3A_562 = arith.shli %add3A_559, %shift_left3A_561 : vector<16xi32>
    %add3A_563 = vector.broadcast %add3A_544 : i32 to vector<16xi32>
    %add3A_564 = arith.addi %shift_left3A_562, %add3A_563 : vector<16xi32>
    %add3A_565 = arith.addi %add3A_564, %iota3A : vector<16xi32>
    %dma_start3A_566 = arith.constant 8 : i32
    %dma_start3A_567 = arith.constant 0 : i32
    %dma_start3A_568 = tpu.memref_slice %arg15[%dma_start3A_566, %dma_start3A_567] : memref<16x16xf32, #tpu.memory_space<vmem>> -> memref<1x16xf32, #tpu.memory_space<vmem>>
    %dma_start3A_569 = tpu.memref_squeeze %dma_start3A_568 : memref<1x16xf32, #tpu.memory_space<vmem>> -> memref<16xf32, #tpu.memory_space<vmem>>
    %dma_start3A_570 = arith.constant 0 : i32
    %dma_start3A_571 = tpu.memref_slice %arg2[%dma_start3A_570] : memref<64000000xf32, #tpu.memory_space<hbm>> -> memref<64000000xf32, #tpu.memory_space<hbm>>
    tpu.enqueue_indirect_dma source(%dma_start3A_571 : memref<64000000xf32, #tpu.memory_space<hbm>>) target(%dma_start3A_569 : memref<16xf32, #tpu.memory_space<vmem>>) offsets(%add3A_565 : vector<16xi32>) semaphore(%arg14 : memref<!tpu.dma_semaphore, #tpu.memory_space<semaphore_mem>>)
    %mul3A_572 = arith.constant 32 : i32
    %mul3A_573 = arith.muli %and3A_3, %mul3A_572 : i32
    %add3A_574 = arith.constant 16 : i32
    %add3A_575 = arith.addi %mul3A_573, %add3A_574 : i32
    %get3A_576 = arith.constant 4 : i32
    %get3A_577 = arith.index_cast %get3A_576 : i32 to index
    %get3A_578 = arith.index_cast %add3A_575 : i32 to index
    %get3A_579 = tpu.vector_load %arg7[%get3A_577, %get3A_578] {strides = array<i32>} : memref<8x128xi32, #tpu.memory_space<vmem>>, vector<1x16xi32>,
    %get3A_580 = vector.shape_cast %get3A_579 : vector<1x16xi32> to vector<16xi32>
    %min3A_581 = arith.constant 9999 : i32
    %min3A_582 = vector.broadcast %min3A_581 : i32 to vector<16xi32>
    %min3A_583 = arith.minsi %get3A_580, %min3A_582 : vector<16xi32>
    %max3A_584 = arith.constant 0 : i32
    %max3A_585 = vector.broadcast %max3A_584 : i32 to vector<16xi32>
    %max3A_586 = arith.maxsi %min3A_583, %max3A_585 : vector<16xi32>
    %mul3A_587 = arith.constant 10000 : i32
    %mul3A_588 = arith.muli %min3A_540, %mul3A_587 : i32
    %add3A_589 = vector.broadcast %mul3A_588 : i32 to vector<16xi32>
    %add3A_590 = arith.addi %add3A_589, %max3A_586 : vector<16xi32>
    %shift_left3A_591 = arith.constant 7 : i32
    %shift_left3A_592 = vector.broadcast %shift_left3A_591 : i32 to vector<16xi32>
    %shift_left3A_593 = arith.shli %add3A_590, %shift_left3A_592 : vector<16xi32>
    %add3A_594 = vector.broadcast %add3A_575 : i32 to vector<16xi32>
    %add3A_595 = arith.addi %shift_left3A_593, %add3A_594 : vector<16xi32>
    %add3A_596 = arith.addi %add3A_595, %iota3A : vector<16xi32>
    %dma_start3A_597 = arith.constant 9 : i32
    %dma_start3A_598 = arith.constant 0 : i32
    %dma_start3A_599 = tpu.memref_slice %arg15[%dma_start3A_597, %dma_start3A_598] : memref<16x16xf32, #tpu.memory_space<vmem>> -> memref<1x16xf32, #tpu.memory_space<vmem>>
    %dma_start3A_600 = tpu.memref_squeeze %dma_start3A_599 : memref<1x16xf32, #tpu.memory_space<vmem>> -> memref<16xf32, #tpu.memory_space<vmem>>
    %dma_start3A_601 = arith.constant 0 : i32
    %dma_start3A_602 = tpu.memref_slice %arg2[%dma_start3A_601] : memref<64000000xf32, #tpu.memory_space<hbm>> -> memref<64000000xf32, #tpu.memory_space<hbm>>
    tpu.enqueue_indirect_dma source(%dma_start3A_602 : memref<64000000xf32, #tpu.memory_space<hbm>>) target(%dma_start3A_600 : memref<16xf32, #tpu.memory_space<vmem>>) offsets(%add3A_596 : vector<16xi32>) semaphore(%arg14 : memref<!tpu.dma_semaphore, #tpu.memory_space<semaphore_mem>>)
    %add3A_603 = arith.constant 5 : i32
    %add3A_604 = arith.addi %mul3A_9, %add3A_603 : i32
    %min3A_605 = arith.constant 49 : i32
    %min3A_606 = arith.minsi %add3A_604, %min3A_605 : i32
    %mul3A_607 = arith.constant 32 : i32
    %mul3A_608 = arith.muli %and3A_3, %mul3A_607 : i32
    %add3A_609 = arith.constant 0 : i32
    %add3A_610 = arith.addi %mul3A_608, %add3A_609 : i32
    %get3A_611 = arith.constant 5 : i32
    %get3A_612 = arith.index_cast %get3A_611 : i32 to index
    %get3A_613 = arith.index_cast %add3A_610 : i32 to index
    %get3A_614 = tpu.vector_load %arg7[%get3A_612, %get3A_613] {strides = array<i32>} : memref<8x128xi32, #tpu.memory_space<vmem>>, vector<1x16xi32>,
    %get3A_615 = vector.shape_cast %get3A_614 : vector<1x16xi32> to vector<16xi32>
    %min3A_616 = arith.constant 9999 : i32
    %min3A_617 = vector.broadcast %min3A_616 : i32 to vector<16xi32>
    %min3A_618 = arith.minsi %get3A_615, %min3A_617 : vector<16xi32>
    %max3A_619 = arith.constant 0 : i32
    %max3A_620 = vector.broadcast %max3A_619 : i32 to vector<16xi32>
    %max3A_621 = arith.maxsi %min3A_618, %max3A_620 : vector<16xi32>
    %mul3A_622 = arith.constant 10000 : i32
    %mul3A_623 = arith.muli %min3A_606, %mul3A_622 : i32
    %add3A_624 = vector.broadcast %mul3A_623 : i32 to vector<16xi32>
    %add3A_625 = arith.addi %add3A_624, %max3A_621 : vector<16xi32>
    %shift_left3A_626 = arith.constant 7 : i32
    %shift_left3A_627 = vector.broadcast %shift_left3A_626 : i32 to vector<16xi32>
    %shift_left3A_628 = arith.shli %add3A_625, %shift_left3A_627 : vector<16xi32>
    %add3A_629 = vector.broadcast %add3A_610 : i32 to vector<16xi32>
    %add3A_630 = arith.addi %shift_left3A_628, %add3A_629 : vector<16xi32>
    %add3A_631 = arith.addi %add3A_630, %iota3A : vector<16xi32>
    %dma_start3A_632 = arith.constant 10 : i32
    %dma_start3A_633 = arith.constant 0 : i32
    %dma_start3A_634 = tpu.memref_slice %arg15[%dma_start3A_632, %dma_start3A_633] : memref<16x16xf32, #tpu.memory_space<vmem>> -> memref<1x16xf32, #tpu.memory_space<vmem>>
    %dma_start3A_635 = tpu.memref_squeeze %dma_start3A_634 : memref<1x16xf32, #tpu.memory_space<vmem>> -> memref<16xf32, #tpu.memory_space<vmem>>
    %dma_start3A_636 = arith.constant 0 : i32
    %dma_start3A_637 = tpu.memref_slice %arg2[%dma_start3A_636] : memref<64000000xf32, #tpu.memory_space<hbm>> -> memref<64000000xf32, #tpu.memory_space<hbm>>
    tpu.enqueue_indirect_dma source(%dma_start3A_637 : memref<64000000xf32, #tpu.memory_space<hbm>>) target(%dma_start3A_635 : memref<16xf32, #tpu.memory_space<vmem>>) offsets(%add3A_631 : vector<16xi32>) semaphore(%arg14 : memref<!tpu.dma_semaphore, #tpu.memory_space<semaphore_mem>>)
    %mul3A_638 = arith.constant 32 : i32
    %mul3A_639 = arith.muli %and3A_3, %mul3A_638 : i32
    %add3A_640 = arith.constant 16 : i32
    %add3A_641 = arith.addi %mul3A_639, %add3A_640 : i32
    %get3A_642 = arith.constant 5 : i32
    %get3A_643 = arith.index_cast %get3A_642 : i32 to index
    %get3A_644 = arith.index_cast %add3A_641 : i32 to index
    %get3A_645 = tpu.vector_load %arg7[%get3A_643, %get3A_644] {strides = array<i32>} : memref<8x128xi32, #tpu.memory_space<vmem>>, vector<1x16xi32>,
    %get3A_646 = vector.shape_cast %get3A_645 : vector<1x16xi32> to vector<16xi32>
    %min3A_647 = arith.constant 9999 : i32
    %min3A_648 = vector.broadcast %min3A_647 : i32 to vector<16xi32>
    %min3A_649 = arith.minsi %get3A_646, %min3A_648 : vector<16xi32>
    %max3A_650 = arith.constant 0 : i32
    %max3A_651 = vector.broadcast %max3A_650 : i32 to vector<16xi32>
    %max3A_652 = arith.maxsi %min3A_649, %max3A_651 : vector<16xi32>
    %mul3A_653 = arith.constant 10000 : i32
    %mul3A_654 = arith.muli %min3A_606, %mul3A_653 : i32
    %add3A_655 = vector.broadcast %mul3A_654 : i32 to vector<16xi32>
    %add3A_656 = arith.addi %add3A_655, %max3A_652 : vector<16xi32>
    %shift_left3A_657 = arith.constant 7 : i32
    %shift_left3A_658 = vector.broadcast %shift_left3A_657 : i32 to vector<16xi32>
    %shift_left3A_659 = arith.shli %add3A_656, %shift_left3A_658 : vector<16xi32>
    %add3A_660 = vector.broadcast %add3A_641 : i32 to vector<16xi32>
    %add3A_661 = arith.addi %shift_left3A_659, %add3A_660 : vector<16xi32>
    %add3A_662 = arith.addi %add3A_661, %iota3A : vector<16xi32>
    %dma_start3A_663 = arith.constant 11 : i32
    %dma_start3A_664 = arith.constant 0 : i32
    %dma_start3A_665 = tpu.memref_slice %arg15[%dma_start3A_663, %dma_start3A_664] : memref<16x16xf32, #tpu.memory_space<vmem>> -> memref<1x16xf32, #tpu.memory_space<vmem>>
    %dma_start3A_666 = tpu.memref_squeeze %dma_start3A_665 : memref<1x16xf32, #tpu.memory_space<vmem>> -> memref<16xf32, #tpu.memory_space<vmem>>
    %dma_start3A_667 = arith.constant 0 : i32
    %dma_start3A_668 = tpu.memref_slice %arg2[%dma_start3A_667] : memref<64000000xf32, #tpu.memory_space<hbm>> -> memref<64000000xf32, #tpu.memory_space<hbm>>
    tpu.enqueue_indirect_dma source(%dma_start3A_668 : memref<64000000xf32, #tpu.memory_space<hbm>>) target(%dma_start3A_666 : memref<16xf32, #tpu.memory_space<vmem>>) offsets(%add3A_662 : vector<16xi32>) semaphore(%arg14 : memref<!tpu.dma_semaphore, #tpu.memory_space<semaphore_mem>>)
    %add3A_669 = arith.constant 6 : i32
    %add3A_670 = arith.addi %mul3A_9, %add3A_669 : i32
    %min3A_671 = arith.constant 49 : i32
    %min3A_672 = arith.minsi %add3A_670, %min3A_671 : i32
    %mul3A_673 = arith.constant 32 : i32
    %mul3A_674 = arith.muli %and3A_3, %mul3A_673 : i32
    %add3A_675 = arith.constant 0 : i32
    %add3A_676 = arith.addi %mul3A_674, %add3A_675 : i32
    %get3A_677 = arith.constant 6 : i32
    %get3A_678 = arith.index_cast %get3A_677 : i32 to index
    %get3A_679 = arith.index_cast %add3A_676 : i32 to index
    %get3A_680 = tpu.vector_load %arg7[%get3A_678, %get3A_679] {strides = array<i32>} : memref<8x128xi32, #tpu.memory_space<vmem>>, vector<1x16xi32>,
    %get3A_681 = vector.shape_cast %get3A_680 : vector<1x16xi32> to vector<16xi32>
    %min3A_682 = arith.constant 9999 : i32
    %min3A_683 = vector.broadcast %min3A_682 : i32 to vector<16xi32>
    %min3A_684 = arith.minsi %get3A_681, %min3A_683 : vector<16xi32>
    %max3A_685 = arith.constant 0 : i32
    %max3A_686 = vector.broadcast %max3A_685 : i32 to vector<16xi32>
    %max3A_687 = arith.maxsi %min3A_684, %max3A_686 : vector<16xi32>
    %mul3A_688 = arith.constant 10000 : i32
    %mul3A_689 = arith.muli %min3A_672, %mul3A_688 : i32
    %add3A_690 = vector.broadcast %mul3A_689 : i32 to vector<16xi32>
    %add3A_691 = arith.addi %add3A_690, %max3A_687 : vector<16xi32>
    %shift_left3A_692 = arith.constant 7 : i32
    %shift_left3A_693 = vector.broadcast %shift_left3A_692 : i32 to vector<16xi32>
    %shift_left3A_694 = arith.shli %add3A_691, %shift_left3A_693 : vector<16xi32>
    %add3A_695 = vector.broadcast %add3A_676 : i32 to vector<16xi32>
    %add3A_696 = arith.addi %shift_left3A_694, %add3A_695 : vector<16xi32>
    %add3A_697 = arith.addi %add3A_696, %iota3A : vector<16xi32>
    %dma_start3A_698 = arith.constant 12 : i32
    %dma_start3A_699 = arith.constant 0 : i32
    %dma_start3A_700 = tpu.memref_slice %arg15[%dma_start3A_698, %dma_start3A_699] : memref<16x16xf32, #tpu.memory_space<vmem>> -> memref<1x16xf32, #tpu.memory_space<vmem>>
    %dma_start3A_701 = tpu.memref_squeeze %dma_start3A_700 : memref<1x16xf32, #tpu.memory_space<vmem>> -> memref<16xf32, #tpu.memory_space<vmem>>
    %dma_start3A_702 = arith.constant 0 : i32
    %dma_start3A_703 = tpu.memref_slice %arg2[%dma_start3A_702] : memref<64000000xf32, #tpu.memory_space<hbm>> -> memref<64000000xf32, #tpu.memory_space<hbm>>
    tpu.enqueue_indirect_dma source(%dma_start3A_703 : memref<64000000xf32, #tpu.memory_space<hbm>>) target(%dma_start3A_701 : memref<16xf32, #tpu.memory_space<vmem>>) offsets(%add3A_697 : vector<16xi32>) semaphore(%arg14 : memref<!tpu.dma_semaphore, #tpu.memory_space<semaphore_mem>>)
    %mul3A_704 = arith.constant 32 : i32
    %mul3A_705 = arith.muli %and3A_3, %mul3A_704 : i32
    %add3A_706 = arith.constant 16 : i32
    %add3A_707 = arith.addi %mul3A_705, %add3A_706 : i32
    %get3A_708 = arith.constant 6 : i32
    %get3A_709 = arith.index_cast %get3A_708 : i32 to index
    %get3A_710 = arith.index_cast %add3A_707 : i32 to index
    %get3A_711 = tpu.vector_load %arg7[%get3A_709, %get3A_710] {strides = array<i32>} : memref<8x128xi32, #tpu.memory_space<vmem>>, vector<1x16xi32>,
    %get3A_712 = vector.shape_cast %get3A_711 : vector<1x16xi32> to vector<16xi32>
    %min3A_713 = arith.constant 9999 : i32
    %min3A_714 = vector.broadcast %min3A_713 : i32 to vector<16xi32>
    %min3A_715 = arith.minsi %get3A_712, %min3A_714 : vector<16xi32>
    %max3A_716 = arith.constant 0 : i32
    %max3A_717 = vector.broadcast %max3A_716 : i32 to vector<16xi32>
    %max3A_718 = arith.maxsi %min3A_715, %max3A_717 : vector<16xi32>
    %mul3A_719 = arith.constant 10000 : i32
    %mul3A_720 = arith.muli %min3A_672, %mul3A_719 : i32
    %add3A_721 = vector.broadcast %mul3A_720 : i32 to vector<16xi32>
    %add3A_722 = arith.addi %add3A_721, %max3A_718 : vector<16xi32>
    %shift_left3A_723 = arith.constant 7 : i32
    %shift_left3A_724 = vector.broadcast %shift_left3A_723 : i32 to vector<16xi32>
    %shift_left3A_725 = arith.shli %add3A_722, %shift_left3A_724 : vector<16xi32>
    %add3A_726 = vector.broadcast %add3A_707 : i32 to vector<16xi32>
    %add3A_727 = arith.addi %shift_left3A_725, %add3A_726 : vector<16xi32>
    %add3A_728 = arith.addi %add3A_727, %iota3A : vector<16xi32>
    %dma_start3A_729 = arith.constant 13 : i32
    %dma_start3A_730 = arith.constant 0 : i32
    %dma_start3A_731 = tpu.memref_slice %arg15[%dma_start3A_729, %dma_start3A_730] : memref<16x16xf32, #tpu.memory_space<vmem>> -> memref<1x16xf32, #tpu.memory_space<vmem>>
    %dma_start3A_732 = tpu.memref_squeeze %dma_start3A_731 : memref<1x16xf32, #tpu.memory_space<vmem>> -> memref<16xf32, #tpu.memory_space<vmem>>
    %dma_start3A_733 = arith.constant 0 : i32
    %dma_start3A_734 = tpu.memref_slice %arg2[%dma_start3A_733] : memref<64000000xf32, #tpu.memory_space<hbm>> -> memref<64000000xf32, #tpu.memory_space<hbm>>
    tpu.enqueue_indirect_dma source(%dma_start3A_734 : memref<64000000xf32, #tpu.memory_space<hbm>>) target(%dma_start3A_732 : memref<16xf32, #tpu.memory_space<vmem>>) offsets(%add3A_728 : vector<16xi32>) semaphore(%arg14 : memref<!tpu.dma_semaphore, #tpu.memory_space<semaphore_mem>>)
    %add3A_735 = arith.constant 7 : i32
    %add3A_736 = arith.addi %mul3A_9, %add3A_735 : i32
    %min3A_737 = arith.constant 49 : i32
    %min3A_738 = arith.minsi %add3A_736, %min3A_737 : i32
    %mul3A_739 = arith.constant 32 : i32
    %mul3A_740 = arith.muli %and3A_3, %mul3A_739 : i32
    %add3A_741 = arith.constant 0 : i32
    %add3A_742 = arith.addi %mul3A_740, %add3A_741 : i32
    %get3A_743 = arith.constant 7 : i32
    %get3A_744 = arith.index_cast %get3A_743 : i32 to index
    %get3A_745 = arith.index_cast %add3A_742 : i32 to index
    %get3A_746 = tpu.vector_load %arg7[%get3A_744, %get3A_745] {strides = array<i32>} : memref<8x128xi32, #tpu.memory_space<vmem>>, vector<1x16xi32>,
    %get3A_747 = vector.shape_cast %get3A_746 : vector<1x16xi32> to vector<16xi32>
    %min3A_748 = arith.constant 9999 : i32
    %min3A_749 = vector.broadcast %min3A_748 : i32 to vector<16xi32>
    %min3A_750 = arith.minsi %get3A_747, %min3A_749 : vector<16xi32>
    %max3A_751 = arith.constant 0 : i32
    %max3A_752 = vector.broadcast %max3A_751 : i32 to vector<16xi32>
    %max3A_753 = arith.maxsi %min3A_750, %max3A_752 : vector<16xi32>
    %mul3A_754 = arith.constant 10000 : i32
    %mul3A_755 = arith.muli %min3A_738, %mul3A_754 : i32
    %add3A_756 = vector.broadcast %mul3A_755 : i32 to vector<16xi32>
    %add3A_757 = arith.addi %add3A_756, %max3A_753 : vector<16xi32>
    %shift_left3A_758 = arith.constant 7 : i32
    %shift_left3A_759 = vector.broadcast %shift_left3A_758 : i32 to vector<16xi32>
    %shift_left3A_760 = arith.shli %add3A_757, %shift_left3A_759 : vector<16xi32>
    %add3A_761 = vector.broadcast %add3A_742 : i32 to vector<16xi32>
    %add3A_762 = arith.addi %shift_left3A_760, %add3A_761 : vector<16xi32>
    %add3A_763 = arith.addi %add3A_762, %iota3A : vector<16xi32>
    %dma_start3A_764 = arith.constant 14 : i32
    %dma_start3A_765 = arith.constant 0 : i32
    %dma_start3A_766 = tpu.memref_slice %arg15[%dma_start3A_764, %dma_start3A_765] : memref<16x16xf32, #tpu.memory_space<vmem>> -> memref<1x16xf32, #tpu.memory_space<vmem>>
    %dma_start3A_767 = tpu.memref_squeeze %dma_start3A_766 : memref<1x16xf32, #tpu.memory_space<vmem>> -> memref<16xf32, #tpu.memory_space<vmem>>
    %dma_start3A_768 = arith.constant 0 : i32
    %dma_start3A_769 = tpu.memref_slice %arg2[%dma_start3A_768] : memref<64000000xf32, #tpu.memory_space<hbm>> -> memref<64000000xf32, #tpu.memory_space<hbm>>
    tpu.enqueue_indirect_dma source(%dma_start3A_769 : memref<64000000xf32, #tpu.memory_space<hbm>>) target(%dma_start3A_767 : memref<16xf32, #tpu.memory_space<vmem>>) offsets(%add3A_763 : vector<16xi32>) semaphore(%arg14 : memref<!tpu.dma_semaphore, #tpu.memory_space<semaphore_mem>>)
    %mul3A_770 = arith.constant 32 : i32
    %mul3A_771 = arith.muli %and3A_3, %mul3A_770 : i32
    %add3A_772 = arith.constant 16 : i32
    %add3A_773 = arith.addi %mul3A_771, %add3A_772 : i32
    %get3A_774 = arith.constant 7 : i32
    %get3A_775 = arith.index_cast %get3A_774 : i32 to index
    %get3A_776 = arith.index_cast %add3A_773 : i32 to index
    %get3A_777 = tpu.vector_load %arg7[%get3A_775, %get3A_776] {strides = array<i32>} : memref<8x128xi32, #tpu.memory_space<vmem>>, vector<1x16xi32>,
    %get3A_778 = vector.shape_cast %get3A_777 : vector<1x16xi32> to vector<16xi32>
    %min3A_779 = arith.constant 9999 : i32
    %min3A_780 = vector.broadcast %min3A_779 : i32 to vector<16xi32>
    %min3A_781 = arith.minsi %get3A_778, %min3A_780 : vector<16xi32>
    %max3A_782 = arith.constant 0 : i32
    %max3A_783 = vector.broadcast %max3A_782 : i32 to vector<16xi32>
    %max3A_784 = arith.maxsi %min3A_781, %max3A_783 : vector<16xi32>
    %mul3A_785 = arith.constant 10000 : i32
    %mul3A_786 = arith.muli %min3A_738, %mul3A_785 : i32
    %add3A_787 = vector.broadcast %mul3A_786 : i32 to vector<16xi32>
    %add3A_788 = arith.addi %add3A_787, %max3A_784 : vector<16xi32>
    %shift_left3A_789 = arith.constant 7 : i32
    %shift_left3A_790 = vector.broadcast %shift_left3A_789 : i32 to vector<16xi32>
    %shift_left3A_791 = arith.shli %add3A_788, %shift_left3A_790 : vector<16xi32>
    %add3A_792 = vector.broadcast %add3A_773 : i32 to vector<16xi32>
    %add3A_793 = arith.addi %shift_left3A_791, %add3A_792 : vector<16xi32>
    %add3A_794 = arith.addi %add3A_793, %iota3A : vector<16xi32>
    %dma_start3A_795 = arith.constant 15 : i32
    %dma_start3A_796 = arith.constant 0 : i32
    %dma_start3A_797 = tpu.memref_slice %arg15[%dma_start3A_795, %dma_start3A_796] : memref<16x16xf32, #tpu.memory_space<vmem>> -> memref<1x16xf32, #tpu.memory_space<vmem>>
    %dma_start3A_798 = tpu.memref_squeeze %dma_start3A_797 : memref<1x16xf32, #tpu.memory_space<vmem>> -> memref<16xf32, #tpu.memory_space<vmem>>
    %dma_start3A_799 = arith.constant 0 : i32
    %dma_start3A_800 = tpu.memref_slice %arg2[%dma_start3A_799] : memref<64000000xf32, #tpu.memory_space<hbm>> -> memref<64000000xf32, #tpu.memory_space<hbm>>
    tpu.enqueue_indirect_dma source(%dma_start3A_800 : memref<64000000xf32, #tpu.memory_space<hbm>>) target(%dma_start3A_798 : memref<16xf32, #tpu.memory_space<vmem>>) offsets(%add3A_794 : vector<16xi32>) semaphore(%arg14 : memref<!tpu.dma_semaphore, #tpu.memory_space<semaphore_mem>>)
    %dma_wait3A = arith.constant 0 : i32
    %dma_wait3A_801 = arith.constant 0 : i32
    %dma_wait3A_802 = tpu.memref_slice %arg15[%dma_wait3A, %dma_wait3A_801] : memref<16x16xf32, #tpu.memory_space<vmem>> -> memref<1x16xf32, #tpu.memory_space<vmem>>
    %dma_wait3A_803 = tpu.memref_squeeze %dma_wait3A_802 : memref<1x16xf32, #tpu.memory_space<vmem>> -> memref<16xf32, #tpu.memory_space<vmem>>
    %dma_wait3A_804 = arith.constant 0 : i32
    %dma_wait3A_805 = tpu.memref_slice %arg2[%dma_wait3A_804] : memref<64000000xf32, #tpu.memory_space<hbm>> -> memref<64000000xf32, #tpu.memory_space<hbm>>
    tpu.wait_indirect_dma semaphore(%arg14 : memref<!tpu.dma_semaphore, #tpu.memory_space<semaphore_mem>>) src(%dma_wait3A_805 : memref<64000000xf32, #tpu.memory_space<hbm>>) dst(%dma_wait3A_803 : memref<16xf32, #tpu.memory_space<vmem>>)
    %dma_wait3A_806 = arith.constant 1 : i32
    %dma_wait3A_807 = arith.constant 0 : i32
    %dma_wait3A_808 = tpu.memref_slice %arg15[%dma_wait3A_806, %dma_wait3A_807] : memref<16x16xf32, #tpu.memory_space<vmem>> -> memref<1x16xf32, #tpu.memory_space<vmem>>
    %dma_wait3A_809 = tpu.memref_squeeze %dma_wait3A_808 : memref<1x16xf32, #tpu.memory_space<vmem>> -> memref<16xf32, #tpu.memory_space<vmem>>
    %dma_wait3A_810 = arith.constant 0 : i32
    %dma_wait3A_811 = tpu.memref_slice %arg2[%dma_wait3A_810] : memref<64000000xf32, #tpu.memory_space<hbm>> -> memref<64000000xf32, #tpu.memory_space<hbm>>
    tpu.wait_indirect_dma semaphore(%arg14 : memref<!tpu.dma_semaphore, #tpu.memory_space<semaphore_mem>>) src(%dma_wait3A_811 : memref<64000000xf32, #tpu.memory_space<hbm>>) dst(%dma_wait3A_809 : memref<16xf32, #tpu.memory_space<vmem>>)
    %dma_wait3A_812 = arith.constant 2 : i32
    %dma_wait3A_813 = arith.constant 0 : i32
    %dma_wait3A_814 = tpu.memref_slice %arg15[%dma_wait3A_812, %dma_wait3A_813] : memref<16x16xf32, #tpu.memory_space<vmem>> -> memref<1x16xf32, #tpu.memory_space<vmem>>
    %dma_wait3A_815 = tpu.memref_squeeze %dma_wait3A_814 : memref<1x16xf32, #tpu.memory_space<vmem>> -> memref<16xf32, #tpu.memory_space<vmem>>
    %dma_wait3A_816 = arith.constant 0 : i32
    %dma_wait3A_817 = tpu.memref_slice %arg2[%dma_wait3A_816] : memref<64000000xf32, #tpu.memory_space<hbm>> -> memref<64000000xf32, #tpu.memory_space<hbm>>
    tpu.wait_indirect_dma semaphore(%arg14 : memref<!tpu.dma_semaphore, #tpu.memory_space<semaphore_mem>>) src(%dma_wait3A_817 : memref<64000000xf32, #tpu.memory_space<hbm>>) dst(%dma_wait3A_815 : memref<16xf32, #tpu.memory_space<vmem>>)
    %dma_wait3A_818 = arith.constant 3 : i32
    %dma_wait3A_819 = arith.constant 0 : i32
    %dma_wait3A_820 = tpu.memref_slice %arg15[%dma_wait3A_818, %dma_wait3A_819] : memref<16x16xf32, #tpu.memory_space<vmem>> -> memref<1x16xf32, #tpu.memory_space<vmem>>
    %dma_wait3A_821 = tpu.memref_squeeze %dma_wait3A_820 : memref<1x16xf32, #tpu.memory_space<vmem>> -> memref<16xf32, #tpu.memory_space<vmem>>
    %dma_wait3A_822 = arith.constant 0 : i32
    %dma_wait3A_823 = tpu.memref_slice %arg2[%dma_wait3A_822] : memref<64000000xf32, #tpu.memory_space<hbm>> -> memref<64000000xf32, #tpu.memory_space<hbm>>
    tpu.wait_indirect_dma semaphore(%arg14 : memref<!tpu.dma_semaphore, #tpu.memory_space<semaphore_mem>>) src(%dma_wait3A_823 : memref<64000000xf32, #tpu.memory_space<hbm>>) dst(%dma_wait3A_821 : memref<16xf32, #tpu.memory_space<vmem>>)
    %dma_wait3A_824 = arith.constant 4 : i32
    %dma_wait3A_825 = arith.constant 0 : i32
    %dma_wait3A_826 = tpu.memref_slice %arg15[%dma_wait3A_824, %dma_wait3A_825] : memref<16x16xf32, #tpu.memory_space<vmem>> -> memref<1x16xf32, #tpu.memory_space<vmem>>
    %dma_wait3A_827 = tpu.memref_squeeze %dma_wait3A_826 : memref<1x16xf32, #tpu.memory_space<vmem>> -> memref<16xf32, #tpu.memory_space<vmem>>
    %dma_wait3A_828 = arith.constant 0 : i32
    %dma_wait3A_829 = tpu.memref_slice %arg2[%dma_wait3A_828] : memref<64000000xf32, #tpu.memory_space<hbm>> -> memref<64000000xf32, #tpu.memory_space<hbm>>
    tpu.wait_indirect_dma semaphore(%arg14 : memref<!tpu.dma_semaphore, #tpu.memory_space<semaphore_mem>>) src(%dma_wait3A_829 : memref<64000000xf32, #tpu.memory_space<hbm>>) dst(%dma_wait3A_827 : memref<16xf32, #tpu.memory_space<vmem>>)
    %dma_wait3A_830 = arith.constant 5 : i32
    %dma_wait3A_831 = arith.constant 0 : i32
    %dma_wait3A_832 = tpu.memref_slice %arg15[%dma_wait3A_830, %dma_wait3A_831] : memref<16x16xf32, #tpu.memory_space<vmem>> -> memref<1x16xf32, #tpu.memory_space<vmem>>
    %dma_wait3A_833 = tpu.memref_squeeze %dma_wait3A_832 : memref<1x16xf32, #tpu.memory_space<vmem>> -> memref<16xf32, #tpu.memory_space<vmem>>
    %dma_wait3A_834 = arith.constant 0 : i32
    %dma_wait3A_835 = tpu.memref_slice %arg2[%dma_wait3A_834] : memref<64000000xf32, #tpu.memory_space<hbm>> -> memref<64000000xf32, #tpu.memory_space<hbm>>
    tpu.wait_indirect_dma semaphore(%arg14 : memref<!tpu.dma_semaphore, #tpu.memory_space<semaphore_mem>>) src(%dma_wait3A_835 : memref<64000000xf32, #tpu.memory_space<hbm>>) dst(%dma_wait3A_833 : memref<16xf32, #tpu.memory_space<vmem>>)
    %dma_wait3A_836 = arith.constant 6 : i32
    %dma_wait3A_837 = arith.constant 0 : i32
    %dma_wait3A_838 = tpu.memref_slice %arg15[%dma_wait3A_836, %dma_wait3A_837] : memref<16x16xf32, #tpu.memory_space<vmem>> -> memref<1x16xf32, #tpu.memory_space<vmem>>
    %dma_wait3A_839 = tpu.memref_squeeze %dma_wait3A_838 : memref<1x16xf32, #tpu.memory_space<vmem>> -> memref<16xf32, #tpu.memory_space<vmem>>
    %dma_wait3A_840 = arith.constant 0 : i32
    %dma_wait3A_841 = tpu.memref_slice %arg2[%dma_wait3A_840] : memref<64000000xf32, #tpu.memory_space<hbm>> -> memref<64000000xf32, #tpu.memory_space<hbm>>
    tpu.wait_indirect_dma semaphore(%arg14 : memref<!tpu.dma_semaphore, #tpu.memory_space<semaphore_mem>>) src(%dma_wait3A_841 : memref<64000000xf32, #tpu.memory_space<hbm>>) dst(%dma_wait3A_839 : memref<16xf32, #tpu.memory_space<vmem>>)
    %dma_wait3A_842 = arith.constant 7 : i32
    %dma_wait3A_843 = arith.constant 0 : i32
    %dma_wait3A_844 = tpu.memref_slice %arg15[%dma_wait3A_842, %dma_wait3A_843] : memref<16x16xf32, #tpu.memory_space<vmem>> -> memref<1x16xf32, #tpu.memory_space<vmem>>
    %dma_wait3A_845 = tpu.memref_squeeze %dma_wait3A_844 : memref<1x16xf32, #tpu.memory_space<vmem>> -> memref<16xf32, #tpu.memory_space<vmem>>
    %dma_wait3A_846 = arith.constant 0 : i32
    %dma_wait3A_847 = tpu.memref_slice %arg2[%dma_wait3A_846] : memref<64000000xf32, #tpu.memory_space<hbm>> -> memref<64000000xf32, #tpu.memory_space<hbm>>
    tpu.wait_indirect_dma semaphore(%arg14 : memref<!tpu.dma_semaphore, #tpu.memory_space<semaphore_mem>>) src(%dma_wait3A_847 : memref<64000000xf32, #tpu.memory_space<hbm>>) dst(%dma_wait3A_845 : memref<16xf32, #tpu.memory_space<vmem>>)
    %dma_wait3A_848 = arith.constant 8 : i32
    %dma_wait3A_849 = arith.constant 0 : i32
    %dma_wait3A_850 = tpu.memref_slice %arg15[%dma_wait3A_848, %dma_wait3A_849] : memref<16x16xf32, #tpu.memory_space<vmem>> -> memref<1x16xf32, #tpu.memory_space<vmem>>
    %dma_wait3A_851 = tpu.memref_squeeze %dma_wait3A_850 : memref<1x16xf32, #tpu.memory_space<vmem>> -> memref<16xf32, #tpu.memory_space<vmem>>
    %dma_wait3A_852 = arith.constant 0 : i32
    %dma_wait3A_853 = tpu.memref_slice %arg2[%dma_wait3A_852] : memref<64000000xf32, #tpu.memory_space<hbm>> -> memref<64000000xf32, #tpu.memory_space<hbm>>
    tpu.wait_indirect_dma semaphore(%arg14 : memref<!tpu.dma_semaphore, #tpu.memory_space<semaphore_mem>>) src(%dma_wait3A_853 : memref<64000000xf32, #tpu.memory_space<hbm>>) dst(%dma_wait3A_851 : memref<16xf32, #tpu.memory_space<vmem>>)
    %dma_wait3A_854 = arith.constant 9 : i32
    %dma_wait3A_855 = arith.constant 0 : i32
    %dma_wait3A_856 = tpu.memref_slice %arg15[%dma_wait3A_854, %dma_wait3A_855] : memref<16x16xf32, #tpu.memory_space<vmem>> -> memref<1x16xf32, #tpu.memory_space<vmem>>
    %dma_wait3A_857 = tpu.memref_squeeze %dma_wait3A_856 : memref<1x16xf32, #tpu.memory_space<vmem>> -> memref<16xf32, #tpu.memory_space<vmem>>
    %dma_wait3A_858 = arith.constant 0 : i32
    %dma_wait3A_859 = tpu.memref_slice %arg2[%dma_wait3A_858] : memref<64000000xf32, #tpu.memory_space<hbm>> -> memref<64000000xf32, #tpu.memory_space<hbm>>
    tpu.wait_indirect_dma semaphore(%arg14 : memref<!tpu.dma_semaphore, #tpu.memory_space<semaphore_mem>>) src(%dma_wait3A_859 : memref<64000000xf32, #tpu.memory_space<hbm>>) dst(%dma_wait3A_857 : memref<16xf32, #tpu.memory_space<vmem>>)
    %dma_wait3A_860 = arith.constant 10 : i32
    %dma_wait3A_861 = arith.constant 0 : i32
    %dma_wait3A_862 = tpu.memref_slice %arg15[%dma_wait3A_860, %dma_wait3A_861] : memref<16x16xf32, #tpu.memory_space<vmem>> -> memref<1x16xf32, #tpu.memory_space<vmem>>
    %dma_wait3A_863 = tpu.memref_squeeze %dma_wait3A_862 : memref<1x16xf32, #tpu.memory_space<vmem>> -> memref<16xf32, #tpu.memory_space<vmem>>
    %dma_wait3A_864 = arith.constant 0 : i32
    %dma_wait3A_865 = tpu.memref_slice %arg2[%dma_wait3A_864] : memref<64000000xf32, #tpu.memory_space<hbm>> -> memref<64000000xf32, #tpu.memory_space<hbm>>
    tpu.wait_indirect_dma semaphore(%arg14 : memref<!tpu.dma_semaphore, #tpu.memory_space<semaphore_mem>>) src(%dma_wait3A_865 : memref<64000000xf32, #tpu.memory_space<hbm>>) dst(%dma_wait3A_863 : memref<16xf32, #tpu.memory_space<vmem>>)
    %dma_wait3A_866 = arith.constant 11 : i32
    %dma_wait3A_867 = arith.constant 0 : i32
    %dma_wait3A_868 = tpu.memref_slice %arg15[%dma_wait3A_866, %dma_wait3A_867] : memref<16x16xf32, #tpu.memory_space<vmem>> -> memref<1x16xf32, #tpu.memory_space<vmem>>
    %dma_wait3A_869 = tpu.memref_squeeze %dma_wait3A_868 : memref<1x16xf32, #tpu.memory_space<vmem>> -> memref<16xf32, #tpu.memory_space<vmem>>
    %dma_wait3A_870 = arith.constant 0 : i32
    %dma_wait3A_871 = tpu.memref_slice %arg2[%dma_wait3A_870] : memref<64000000xf32, #tpu.memory_space<hbm>> -> memref<64000000xf32, #tpu.memory_space<hbm>>
    tpu.wait_indirect_dma semaphore(%arg14 : memref<!tpu.dma_semaphore, #tpu.memory_space<semaphore_mem>>) src(%dma_wait3A_871 : memref<64000000xf32, #tpu.memory_space<hbm>>) dst(%dma_wait3A_869 : memref<16xf32, #tpu.memory_space<vmem>>)
    %dma_wait3A_872 = arith.constant 12 : i32
    %dma_wait3A_873 = arith.constant 0 : i32
    %dma_wait3A_874 = tpu.memref_slice %arg15[%dma_wait3A_872, %dma_wait3A_873] : memref<16x16xf32, #tpu.memory_space<vmem>> -> memref<1x16xf32, #tpu.memory_space<vmem>>
    %dma_wait3A_875 = tpu.memref_squeeze %dma_wait3A_874 : memref<1x16xf32, #tpu.memory_space<vmem>> -> memref<16xf32, #tpu.memory_space<vmem>>
    %dma_wait3A_876 = arith.constant 0 : i32
    %dma_wait3A_877 = tpu.memref_slice %arg2[%dma_wait3A_876] : memref<64000000xf32, #tpu.memory_space<hbm>> -> memref<64000000xf32, #tpu.memory_space<hbm>>
    tpu.wait_indirect_dma semaphore(%arg14 : memref<!tpu.dma_semaphore, #tpu.memory_space<semaphore_mem>>) src(%dma_wait3A_877 : memref<64000000xf32, #tpu.memory_space<hbm>>) dst(%dma_wait3A_875 : memref<16xf32, #tpu.memory_space<vmem>>)
    %dma_wait3A_878 = arith.constant 13 : i32
    %dma_wait3A_879 = arith.constant 0 : i32
    %dma_wait3A_880 = tpu.memref_slice %arg15[%dma_wait3A_878, %dma_wait3A_879] : memref<16x16xf32, #tpu.memory_space<vmem>> -> memref<1x16xf32, #tpu.memory_space<vmem>>
    %dma_wait3A_881 = tpu.memref_squeeze %dma_wait3A_880 : memref<1x16xf32, #tpu.memory_space<vmem>> -> memref<16xf32, #tpu.memory_space<vmem>>
    %dma_wait3A_882 = arith.constant 0 : i32
    %dma_wait3A_883 = tpu.memref_slice %arg2[%dma_wait3A_882] : memref<64000000xf32, #tpu.memory_space<hbm>> -> memref<64000000xf32, #tpu.memory_space<hbm>>
    tpu.wait_indirect_dma semaphore(%arg14 : memref<!tpu.dma_semaphore, #tpu.memory_space<semaphore_mem>>) src(%dma_wait3A_883 : memref<64000000xf32, #tpu.memory_space<hbm>>) dst(%dma_wait3A_881 : memref<16xf32, #tpu.memory_space<vmem>>)
    %dma_wait3A_884 = arith.constant 14 : i32
    %dma_wait3A_885 = arith.constant 0 : i32
    %dma_wait3A_886 = tpu.memref_slice %arg15[%dma_wait3A_884, %dma_wait3A_885] : memref<16x16xf32, #tpu.memory_space<vmem>> -> memref<1x16xf32, #tpu.memory_space<vmem>>
    %dma_wait3A_887 = tpu.memref_squeeze %dma_wait3A_886 : memref<1x16xf32, #tpu.memory_space<vmem>> -> memref<16xf32, #tpu.memory_space<vmem>>
    %dma_wait3A_888 = arith.constant 0 : i32
    %dma_wait3A_889 = tpu.memref_slice %arg2[%dma_wait3A_888] : memref<64000000xf32, #tpu.memory_space<hbm>> -> memref<64000000xf32, #tpu.memory_space<hbm>>
    tpu.wait_indirect_dma semaphore(%arg14 : memref<!tpu.dma_semaphore, #tpu.memory_space<semaphore_mem>>) src(%dma_wait3A_889 : memref<64000000xf32, #tpu.memory_space<hbm>>) dst(%dma_wait3A_887 : memref<16xf32, #tpu.memory_space<vmem>>)
    %dma_wait3A_890 = arith.constant 15 : i32
    %dma_wait3A_891 = arith.constant 0 : i32
    %dma_wait3A_892 = tpu.memref_slice %arg15[%dma_wait3A_890, %dma_wait3A_891] : memref<16x16xf32, #tpu.memory_space<vmem>> -> memref<1x16xf32, #tpu.memory_space<vmem>>
    %dma_wait3A_893 = tpu.memref_squeeze %dma_wait3A_892 : memref<1x16xf32, #tpu.memory_space<vmem>> -> memref<16xf32, #tpu.memory_space<vmem>>
    %dma_wait3A_894 = arith.constant 0 : i32
    %dma_wait3A_895 = tpu.memref_slice %arg2[%dma_wait3A_894] : memref<64000000xf32, #tpu.memory_space<hbm>> -> memref<64000000xf32, #tpu.memory_space<hbm>>
    tpu.wait_indirect_dma semaphore(%arg14 : memref<!tpu.dma_semaphore, #tpu.memory_space<semaphore_mem>>) src(%dma_wait3A_895 : memref<64000000xf32, #tpu.memory_space<hbm>>) dst(%dma_wait3A_893 : memref<16xf32, #tpu.memory_space<vmem>>)
    %broadcast_in_dim3A_896 = arith.constant 0.000000e+00 : f32
    %broadcast_in_dim3A_897 = vector.broadcast %broadcast_in_dim3A_896 : f32 to vector<16xf32>
    %broadcast_in_dim3A_898 = arith.constant 0.000000e+00 : f32
    %broadcast_in_dim3A_899 = vector.broadcast %broadcast_in_dim3A_898 : f32 to vector<16xf32>
    %add3A_900 = arith.constant 0 : i32
    %add3A_901 = arith.addi %mul3A_9, %add3A_900 : i32
    %convert_element_type3A_902 = arith.sitofp %add3A_901 : i32 to f32
    %sub3A_903 = arith.constant 5.000000e+01 : f32
    %sub3A_904 = arith.subf %sub3A_903, %convert_element_type3A_902 : f32
    %max3A_905 = arith.constant 0.000000e+00 : f32
    %max3A_906 = arith.maximumf %sub3A_904, %max3A_905 : f32
    %min3A_907 = arith.constant 1.000000e+00 : f32
    %min3A_908 = arith.minimumf %max3A_906, %min3A_907 : f32
    %mul3A_909 = arith.mulf %min3A_908, %min3A_7 : f32
    %broadcast_in_dim3A_910 = vector.broadcast %mul3A_909 : f32 to vector<16xf32>
    %mul3A_911 = arith.constant 32 : i32
    %mul3A_912 = arith.muli %and3A_3, %mul3A_911 : i32
    %add3A_913 = arith.constant 0 : i32
    %add3A_914 = arith.addi %mul3A_912, %add3A_913 : i32
    %get3A_915 = arith.constant 0 : i32
    %get3A_916 = arith.index_cast %get3A_915 : i32 to index
    %get3A_917 = arith.index_cast %add3A_914 : i32 to index
    %get3A_918 = tpu.vector_load %arg8[%get3A_916, %get3A_917] {strides = array<i32>} : memref<8x128xi32, #tpu.memory_space<vmem>>, vector<1x16xi32>,
    %get3A_919 = vector.shape_cast %get3A_918 : vector<1x16xi32> to vector<16xi32>
    %gt3A = arith.constant 0 : i32
    %gt3A_920 = vector.broadcast %gt3A : i32 to vector<16xi32>
    %gt3A_921 = arith.cmpi sgt, %get3A_919, %gt3A_920 : vector<16xi32>
    %jit3A = arith.constant 1.000000e+00 : f32
    %jit3A_922 = arith.constant 0.000000e+00 : f32
    %broadcast_in_dim3A_923 = vector.broadcast %jit3A : f32 to vector<16xf32>
    %broadcast_in_dim3A_924 = vector.broadcast %jit3A_922 : f32 to vector<16xf32>
    %select_n3A_925 = arith.select %gt3A_921, %broadcast_in_dim3A_923, %broadcast_in_dim3A_924 : vector<16xi1>, vector<16xf32>
    %mul3A_926 = arith.mulf %select_n3A_925, %broadcast_in_dim3A_910 : vector<16xf32>
    %get3A_927 = arith.index_cast %add3A_914 : i32 to index
    %get3A_928 = tpu.vector_load %arg9[%get3A_927] {strides = array<i32>} : memref<128xf32, #tpu.memory_space<vmem>>, vector<16xf32>,
    %get3A_929 = vector.shape_cast %get3A_928 : vector<16xf32> to vector<16xf32>
    %get3A_930 = arith.constant 0 : i32
    %get3A_931 = arith.index_cast %get3A_930 : i32 to index
    %get3A_932 = arith.constant 0 : index
    %get3A_933 = tpu.vector_load %arg15[%get3A_931, %get3A_932] {strides = array<i32>} : memref<16x16xf32, #tpu.memory_space<vmem>>, vector<1x16xf32>,
    %get3A_934 = vector.shape_cast %get3A_933 : vector<1x16xf32> to vector<16xf32>
    %mul3A_935 = arith.mulf %get3A_934, %mul3A_926 : vector<16xf32>
    %mul3A_936 = arith.mulf %mul3A_935, %get3A_929 : vector<16xf32>
    %sub3A_937 = arith.subf %broadcast_in_dim3A_897, %mul3A_936 : vector<16xf32>
    %add3A_938 = arith.addf %broadcast_in_dim3A_899, %mul3A_926 : vector<16xf32>
    %mul3A_939 = arith.constant 32 : i32
    %mul3A_940 = arith.muli %and3A_3, %mul3A_939 : i32
    %add3A_941 = arith.constant 16 : i32
    %add3A_942 = arith.addi %mul3A_940, %add3A_941 : i32
    %get3A_943 = arith.constant 0 : i32
    %get3A_944 = arith.index_cast %get3A_943 : i32 to index
    %get3A_945 = arith.index_cast %add3A_942 : i32 to index
    %get3A_946 = tpu.vector_load %arg8[%get3A_944, %get3A_945] {strides = array<i32>} : memref<8x128xi32, #tpu.memory_space<vmem>>, vector<1x16xi32>,
    %get3A_947 = vector.shape_cast %get3A_946 : vector<1x16xi32> to vector<16xi32>
    %gt3A_948 = arith.constant 0 : i32
    %gt3A_949 = vector.broadcast %gt3A_948 : i32 to vector<16xi32>
    %gt3A_950 = arith.cmpi sgt, %get3A_947, %gt3A_949 : vector<16xi32>
    %jit3A_951 = arith.constant 1.000000e+00 : f32
    %jit3A_952 = arith.constant 0.000000e+00 : f32
    %broadcast_in_dim3A_953 = vector.broadcast %jit3A_951 : f32 to vector<16xf32>
    %broadcast_in_dim3A_954 = vector.broadcast %jit3A_952 : f32 to vector<16xf32>
    %select_n3A_955 = arith.select %gt3A_950, %broadcast_in_dim3A_953, %broadcast_in_dim3A_954 : vector<16xi1>, vector<16xf32>
    %mul3A_956 = arith.mulf %select_n3A_955, %broadcast_in_dim3A_910 : vector<16xf32>
    %get3A_957 = arith.index_cast %add3A_942 : i32 to index
    %get3A_958 = tpu.vector_load %arg9[%get3A_957] {strides = array<i32>} : memref<128xf32, #tpu.memory_space<vmem>>, vector<16xf32>,
    %get3A_959 = vector.shape_cast %get3A_958 : vector<16xf32> to vector<16xf32>
    %get3A_960 = arith.constant 1 : i32
    %get3A_961 = arith.index_cast %get3A_960 : i32 to index
    %get3A_962 = arith.constant 0 : index
    %get3A_963 = tpu.vector_load %arg15[%get3A_961, %get3A_962] {strides = array<i32>} : memref<16x16xf32, #tpu.memory_space<vmem>>, vector<1x16xf32>,
    %get3A_964 = vector.shape_cast %get3A_963 : vector<1x16xf32> to vector<16xf32>
    %mul3A_965 = arith.mulf %get3A_964, %mul3A_956 : vector<16xf32>
    %mul3A_966 = arith.mulf %mul3A_965, %get3A_959 : vector<16xf32>
    %sub3A_967 = arith.subf %sub3A_937, %mul3A_966 : vector<16xf32>
    %add3A_968 = arith.addf %add3A_938, %mul3A_956 : vector<16xf32>
    %add3A_969 = arith.constant 1 : i32
    %add3A_970 = arith.addi %mul3A_9, %add3A_969 : i32
    %convert_element_type3A_971 = arith.sitofp %add3A_970 : i32 to f32
    %sub3A_972 = arith.constant 5.000000e+01 : f32
    %sub3A_973 = arith.subf %sub3A_972, %convert_element_type3A_971 : f32
    %max3A_974 = arith.constant 0.000000e+00 : f32
    %max3A_975 = arith.maximumf %sub3A_973, %max3A_974 : f32
    %min3A_976 = arith.constant 1.000000e+00 : f32
    %min3A_977 = arith.minimumf %max3A_975, %min3A_976 : f32
    %mul3A_978 = arith.mulf %min3A_977, %min3A_7 : f32
    %broadcast_in_dim3A_979 = vector.broadcast %mul3A_978 : f32 to vector<16xf32>
    %mul3A_980 = arith.constant 32 : i32
    %mul3A_981 = arith.muli %and3A_3, %mul3A_980 : i32
    %add3A_982 = arith.constant 0 : i32
    %add3A_983 = arith.addi %mul3A_981, %add3A_982 : i32
    %get3A_984 = arith.constant 1 : i32
    %get3A_985 = arith.index_cast %get3A_984 : i32 to index
    %get3A_986 = arith.index_cast %add3A_983 : i32 to index
    %get3A_987 = tpu.vector_load %arg8[%get3A_985, %get3A_986] {strides = array<i32>} : memref<8x128xi32, #tpu.memory_space<vmem>>, vector<1x16xi32>,
    %get3A_988 = vector.shape_cast %get3A_987 : vector<1x16xi32> to vector<16xi32>
    %gt3A_989 = arith.constant 0 : i32
    %gt3A_990 = vector.broadcast %gt3A_989 : i32 to vector<16xi32>
    %gt3A_991 = arith.cmpi sgt, %get3A_988, %gt3A_990 : vector<16xi32>
    %jit3A_992 = arith.constant 1.000000e+00 : f32
    %jit3A_993 = arith.constant 0.000000e+00 : f32
    %broadcast_in_dim3A_994 = vector.broadcast %jit3A_992 : f32 to vector<16xf32>
    %broadcast_in_dim3A_995 = vector.broadcast %jit3A_993 : f32 to vector<16xf32>
    %select_n3A_996 = arith.select %gt3A_991, %broadcast_in_dim3A_994, %broadcast_in_dim3A_995 : vector<16xi1>, vector<16xf32>
    %mul3A_997 = arith.mulf %select_n3A_996, %broadcast_in_dim3A_979 : vector<16xf32>
    %get3A_998 = arith.index_cast %add3A_983 : i32 to index
    %get3A_999 = tpu.vector_load %arg9[%get3A_998] {strides = array<i32>} : memref<128xf32, #tpu.memory_space<vmem>>, vector<16xf32>,
    %get3A_1000 = vector.shape_cast %get3A_999 : vector<16xf32> to vector<16xf32>
    %get3A_1001 = arith.constant 2 : i32
    %get3A_1002 = arith.index_cast %get3A_1001 : i32 to index
    %get3A_1003 = arith.constant 0 : index
    %get3A_1004 = tpu.vector_load %arg15[%get3A_1002, %get3A_1003] {strides = array<i32>} : memref<16x16xf32, #tpu.memory_space<vmem>>, vector<1x16xf32>,
    %get3A_1005 = vector.shape_cast %get3A_1004 : vector<1x16xf32> to vector<16xf32>
    %mul3A_1006 = arith.mulf %get3A_1005, %mul3A_997 : vector<16xf32>
    %mul3A_1007 = arith.mulf %mul3A_1006, %get3A_1000 : vector<16xf32>
    %sub3A_1008 = arith.subf %sub3A_967, %mul3A_1007 : vector<16xf32>
    %add3A_1009 = arith.addf %add3A_968, %mul3A_997 : vector<16xf32>
    %mul3A_1010 = arith.constant 32 : i32
    %mul3A_1011 = arith.muli %and3A_3, %mul3A_1010 : i32
    %add3A_1012 = arith.constant 16 : i32
    %add3A_1013 = arith.addi %mul3A_1011, %add3A_1012 : i32
    %get3A_1014 = arith.constant 1 : i32
    %get3A_1015 = arith.index_cast %get3A_1014 : i32 to index
    %get3A_1016 = arith.index_cast %add3A_1013 : i32 to index
    %get3A_1017 = tpu.vector_load %arg8[%get3A_1015, %get3A_1016] {strides = array<i32>} : memref<8x128xi32, #tpu.memory_space<vmem>>, vector<1x16xi32>,
    %get3A_1018 = vector.shape_cast %get3A_1017 : vector<1x16xi32> to vector<16xi32>
    %gt3A_1019 = arith.constant 0 : i32
    %gt3A_1020 = vector.broadcast %gt3A_1019 : i32 to vector<16xi32>
    %gt3A_1021 = arith.cmpi sgt, %get3A_1018, %gt3A_1020 : vector<16xi32>
    %jit3A_1022 = arith.constant 1.000000e+00 : f32
    %jit3A_1023 = arith.constant 0.000000e+00 : f32
    %broadcast_in_dim3A_1024 = vector.broadcast %jit3A_1022 : f32 to vector<16xf32>
    %broadcast_in_dim3A_1025 = vector.broadcast %jit3A_1023 : f32 to vector<16xf32>
    %select_n3A_1026 = arith.select %gt3A_1021, %broadcast_in_dim3A_1024, %broadcast_in_dim3A_1025 : vector<16xi1>, vector<16xf32>
    %mul3A_1027 = arith.mulf %select_n3A_1026, %broadcast_in_dim3A_979 : vector<16xf32>
    %get3A_1028 = arith.index_cast %add3A_1013 : i32 to index
    %get3A_1029 = tpu.vector_load %arg9[%get3A_1028] {strides = array<i32>} : memref<128xf32, #tpu.memory_space<vmem>>, vector<16xf32>,
    %get3A_1030 = vector.shape_cast %get3A_1029 : vector<16xf32> to vector<16xf32>
    %get3A_1031 = arith.constant 3 : i32
    %get3A_1032 = arith.index_cast %get3A_1031 : i32 to index
    %get3A_1033 = arith.constant 0 : index
    %get3A_1034 = tpu.vector_load %arg15[%get3A_1032, %get3A_1033] {strides = array<i32>} : memref<16x16xf32, #tpu.memory_space<vmem>>, vector<1x16xf32>,
    %get3A_1035 = vector.shape_cast %get3A_1034 : vector<1x16xf32> to vector<16xf32>
    %mul3A_1036 = arith.mulf %get3A_1035, %mul3A_1027 : vector<16xf32>
    %mul3A_1037 = arith.mulf %mul3A_1036, %get3A_1030 : vector<16xf32>
    %sub3A_1038 = arith.subf %sub3A_1008, %mul3A_1037 : vector<16xf32>
    %add3A_1039 = arith.addf %add3A_1009, %mul3A_1027 : vector<16xf32>
    %add3A_1040 = arith.constant 2 : i32
    %add3A_1041 = arith.addi %mul3A_9, %add3A_1040 : i32
    %convert_element_type3A_1042 = arith.sitofp %add3A_1041 : i32 to f32
    %sub3A_1043 = arith.constant 5.000000e+01 : f32
    %sub3A_1044 = arith.subf %sub3A_1043, %convert_element_type3A_1042 : f32
    %max3A_1045 = arith.constant 0.000000e+00 : f32
    %max3A_1046 = arith.maximumf %sub3A_1044, %max3A_1045 : f32
    %min3A_1047 = arith.constant 1.000000e+00 : f32
    %min3A_1048 = arith.minimumf %max3A_1046, %min3A_1047 : f32
    %mul3A_1049 = arith.mulf %min3A_1048, %min3A_7 : f32
    %broadcast_in_dim3A_1050 = vector.broadcast %mul3A_1049 : f32 to vector<16xf32>
    %mul3A_1051 = arith.constant 32 : i32
    %mul3A_1052 = arith.muli %and3A_3, %mul3A_1051 : i32
    %add3A_1053 = arith.constant 0 : i32
    %add3A_1054 = arith.addi %mul3A_1052, %add3A_1053 : i32
    %get3A_1055 = arith.constant 2 : i32
    %get3A_1056 = arith.index_cast %get3A_1055 : i32 to index
    %get3A_1057 = arith.index_cast %add3A_1054 : i32 to index
    %get3A_1058 = tpu.vector_load %arg8[%get3A_1056, %get3A_1057] {strides = array<i32>} : memref<8x128xi32, #tpu.memory_space<vmem>>, vector<1x16xi32>,
    %get3A_1059 = vector.shape_cast %get3A_1058 : vector<1x16xi32> to vector<16xi32>
    %gt3A_1060 = arith.constant 0 : i32
    %gt3A_1061 = vector.broadcast %gt3A_1060 : i32 to vector<16xi32>
    %gt3A_1062 = arith.cmpi sgt, %get3A_1059, %gt3A_1061 : vector<16xi32>
    %jit3A_1063 = arith.constant 1.000000e+00 : f32
    %jit3A_1064 = arith.constant 0.000000e+00 : f32
    %broadcast_in_dim3A_1065 = vector.broadcast %jit3A_1063 : f32 to vector<16xf32>
    %broadcast_in_dim3A_1066 = vector.broadcast %jit3A_1064 : f32 to vector<16xf32>
    %select_n3A_1067 = arith.select %gt3A_1062, %broadcast_in_dim3A_1065, %broadcast_in_dim3A_1066 : vector<16xi1>, vector<16xf32>
    %mul3A_1068 = arith.mulf %select_n3A_1067, %broadcast_in_dim3A_1050 : vector<16xf32>
    %get3A_1069 = arith.index_cast %add3A_1054 : i32 to index
    %get3A_1070 = tpu.vector_load %arg9[%get3A_1069] {strides = array<i32>} : memref<128xf32, #tpu.memory_space<vmem>>, vector<16xf32>,
    %get3A_1071 = vector.shape_cast %get3A_1070 : vector<16xf32> to vector<16xf32>
    %get3A_1072 = arith.constant 4 : i32
    %get3A_1073 = arith.index_cast %get3A_1072 : i32 to index
    %get3A_1074 = arith.constant 0 : index
    %get3A_1075 = tpu.vector_load %arg15[%get3A_1073, %get3A_1074] {strides = array<i32>} : memref<16x16xf32, #tpu.memory_space<vmem>>, vector<1x16xf32>,
    %get3A_1076 = vector.shape_cast %get3A_1075 : vector<1x16xf32> to vector<16xf32>
    %mul3A_1077 = arith.mulf %get3A_1076, %mul3A_1068 : vector<16xf32>
    %mul3A_1078 = arith.mulf %mul3A_1077, %get3A_1071 : vector<16xf32>
    %sub3A_1079 = arith.subf %sub3A_1038, %mul3A_1078 : vector<16xf32>
    %add3A_1080 = arith.addf %add3A_1039, %mul3A_1068 : vector<16xf32>
    %mul3A_1081 = arith.constant 32 : i32
    %mul3A_1082 = arith.muli %and3A_3, %mul3A_1081 : i32
    %add3A_1083 = arith.constant 16 : i32
    %add3A_1084 = arith.addi %mul3A_1082, %add3A_1083 : i32
    %get3A_1085 = arith.constant 2 : i32
    %get3A_1086 = arith.index_cast %get3A_1085 : i32 to index
    %get3A_1087 = arith.index_cast %add3A_1084 : i32 to index
    %get3A_1088 = tpu.vector_load %arg8[%get3A_1086, %get3A_1087] {strides = array<i32>} : memref<8x128xi32, #tpu.memory_space<vmem>>, vector<1x16xi32>,
    %get3A_1089 = vector.shape_cast %get3A_1088 : vector<1x16xi32> to vector<16xi32>
    %gt3A_1090 = arith.constant 0 : i32
    %gt3A_1091 = vector.broadcast %gt3A_1090 : i32 to vector<16xi32>
    %gt3A_1092 = arith.cmpi sgt, %get3A_1089, %gt3A_1091 : vector<16xi32>
    %jit3A_1093 = arith.constant 1.000000e+00 : f32
    %jit3A_1094 = arith.constant 0.000000e+00 : f32
    %broadcast_in_dim3A_1095 = vector.broadcast %jit3A_1093 : f32 to vector<16xf32>
    %broadcast_in_dim3A_1096 = vector.broadcast %jit3A_1094 : f32 to vector<16xf32>
    %select_n3A_1097 = arith.select %gt3A_1092, %broadcast_in_dim3A_1095, %broadcast_in_dim3A_1096 : vector<16xi1>, vector<16xf32>
    %mul3A_1098 = arith.mulf %select_n3A_1097, %broadcast_in_dim3A_1050 : vector<16xf32>
    %get3A_1099 = arith.index_cast %add3A_1084 : i32 to index
    %get3A_1100 = tpu.vector_load %arg9[%get3A_1099] {strides = array<i32>} : memref<128xf32, #tpu.memory_space<vmem>>, vector<16xf32>,
    %get3A_1101 = vector.shape_cast %get3A_1100 : vector<16xf32> to vector<16xf32>
    %get3A_1102 = arith.constant 5 : i32
    %get3A_1103 = arith.index_cast %get3A_1102 : i32 to index
    %get3A_1104 = arith.constant 0 : index
    %get3A_1105 = tpu.vector_load %arg15[%get3A_1103, %get3A_1104] {strides = array<i32>} : memref<16x16xf32, #tpu.memory_space<vmem>>, vector<1x16xf32>,
    %get3A_1106 = vector.shape_cast %get3A_1105 : vector<1x16xf32> to vector<16xf32>
    %mul3A_1107 = arith.mulf %get3A_1106, %mul3A_1098 : vector<16xf32>
    %mul3A_1108 = arith.mulf %mul3A_1107, %get3A_1101 : vector<16xf32>
    %sub3A_1109 = arith.subf %sub3A_1079, %mul3A_1108 : vector<16xf32>
    %add3A_1110 = arith.addf %add3A_1080, %mul3A_1098 : vector<16xf32>
    %add3A_1111 = arith.constant 3 : i32
    %add3A_1112 = arith.addi %mul3A_9, %add3A_1111 : i32
    %convert_element_type3A_1113 = arith.sitofp %add3A_1112 : i32 to f32
    %sub3A_1114 = arith.constant 5.000000e+01 : f32
    %sub3A_1115 = arith.subf %sub3A_1114, %convert_element_type3A_1113 : f32
    %max3A_1116 = arith.constant 0.000000e+00 : f32
    %max3A_1117 = arith.maximumf %sub3A_1115, %max3A_1116 : f32
    %min3A_1118 = arith.constant 1.000000e+00 : f32
    %min3A_1119 = arith.minimumf %max3A_1117, %min3A_1118 : f32
    %mul3A_1120 = arith.mulf %min3A_1119, %min3A_7 : f32
    %broadcast_in_dim3A_1121 = vector.broadcast %mul3A_1120 : f32 to vector<16xf32>
    %mul3A_1122 = arith.constant 32 : i32
    %mul3A_1123 = arith.muli %and3A_3, %mul3A_1122 : i32
    %add3A_1124 = arith.constant 0 : i32
    %add3A_1125 = arith.addi %mul3A_1123, %add3A_1124 : i32
    %get3A_1126 = arith.constant 3 : i32
    %get3A_1127 = arith.index_cast %get3A_1126 : i32 to index
    %get3A_1128 = arith.index_cast %add3A_1125 : i32 to index
    %get3A_1129 = tpu.vector_load %arg8[%get3A_1127, %get3A_1128] {strides = array<i32>} : memref<8x128xi32, #tpu.memory_space<vmem>>, vector<1x16xi32>,
    %get3A_1130 = vector.shape_cast %get3A_1129 : vector<1x16xi32> to vector<16xi32>
    %gt3A_1131 = arith.constant 0 : i32
    %gt3A_1132 = vector.broadcast %gt3A_1131 : i32 to vector<16xi32>
    %gt3A_1133 = arith.cmpi sgt, %get3A_1130, %gt3A_1132 : vector<16xi32>
    %jit3A_1134 = arith.constant 1.000000e+00 : f32
    %jit3A_1135 = arith.constant 0.000000e+00 : f32
    %broadcast_in_dim3A_1136 = vector.broadcast %jit3A_1134 : f32 to vector<16xf32>
    %broadcast_in_dim3A_1137 = vector.broadcast %jit3A_1135 : f32 to vector<16xf32>
    %select_n3A_1138 = arith.select %gt3A_1133, %broadcast_in_dim3A_1136, %broadcast_in_dim3A_1137 : vector<16xi1>, vector<16xf32>
    %mul3A_1139 = arith.mulf %select_n3A_1138, %broadcast_in_dim3A_1121 : vector<16xf32>
    %get3A_1140 = arith.index_cast %add3A_1125 : i32 to index
    %get3A_1141 = tpu.vector_load %arg9[%get3A_1140] {strides = array<i32>} : memref<128xf32, #tpu.memory_space<vmem>>, vector<16xf32>,
    %get3A_1142 = vector.shape_cast %get3A_1141 : vector<16xf32> to vector<16xf32>
    %get3A_1143 = arith.constant 6 : i32
    %get3A_1144 = arith.index_cast %get3A_1143 : i32 to index
    %get3A_1145 = arith.constant 0 : index
    %get3A_1146 = tpu.vector_load %arg15[%get3A_1144, %get3A_1145] {strides = array<i32>} : memref<16x16xf32, #tpu.memory_space<vmem>>, vector<1x16xf32>,
    %get3A_1147 = vector.shape_cast %get3A_1146 : vector<1x16xf32> to vector<16xf32>
    %mul3A_1148 = arith.mulf %get3A_1147, %mul3A_1139 : vector<16xf32>
    %mul3A_1149 = arith.mulf %mul3A_1148, %get3A_1142 : vector<16xf32>
    %sub3A_1150 = arith.subf %sub3A_1109, %mul3A_1149 : vector<16xf32>
    %add3A_1151 = arith.addf %add3A_1110, %mul3A_1139 : vector<16xf32>
    %mul3A_1152 = arith.constant 32 : i32
    %mul3A_1153 = arith.muli %and3A_3, %mul3A_1152 : i32
    %add3A_1154 = arith.constant 16 : i32
    %add3A_1155 = arith.addi %mul3A_1153, %add3A_1154 : i32
    %get3A_1156 = arith.constant 3 : i32
    %get3A_1157 = arith.index_cast %get3A_1156 : i32 to index
    %get3A_1158 = arith.index_cast %add3A_1155 : i32 to index
    %get3A_1159 = tpu.vector_load %arg8[%get3A_1157, %get3A_1158] {strides = array<i32>} : memref<8x128xi32, #tpu.memory_space<vmem>>, vector<1x16xi32>,
    %get3A_1160 = vector.shape_cast %get3A_1159 : vector<1x16xi32> to vector<16xi32>
    %gt3A_1161 = arith.constant 0 : i32
    %gt3A_1162 = vector.broadcast %gt3A_1161 : i32 to vector<16xi32>
    %gt3A_1163 = arith.cmpi sgt, %get3A_1160, %gt3A_1162 : vector<16xi32>
    %jit3A_1164 = arith.constant 1.000000e+00 : f32
    %jit3A_1165 = arith.constant 0.000000e+00 : f32
    %broadcast_in_dim3A_1166 = vector.broadcast %jit3A_1164 : f32 to vector<16xf32>
    %broadcast_in_dim3A_1167 = vector.broadcast %jit3A_1165 : f32 to vector<16xf32>
    %select_n3A_1168 = arith.select %gt3A_1163, %broadcast_in_dim3A_1166, %broadcast_in_dim3A_1167 : vector<16xi1>, vector<16xf32>
    %mul3A_1169 = arith.mulf %select_n3A_1168, %broadcast_in_dim3A_1121 : vector<16xf32>
    %get3A_1170 = arith.index_cast %add3A_1155 : i32 to index
    %get3A_1171 = tpu.vector_load %arg9[%get3A_1170] {strides = array<i32>} : memref<128xf32, #tpu.memory_space<vmem>>, vector<16xf32>,
    %get3A_1172 = vector.shape_cast %get3A_1171 : vector<16xf32> to vector<16xf32>
    %get3A_1173 = arith.constant 7 : i32
    %get3A_1174 = arith.index_cast %get3A_1173 : i32 to index
    %get3A_1175 = arith.constant 0 : index
    %get3A_1176 = tpu.vector_load %arg15[%get3A_1174, %get3A_1175] {strides = array<i32>} : memref<16x16xf32, #tpu.memory_space<vmem>>, vector<1x16xf32>,
    %get3A_1177 = vector.shape_cast %get3A_1176 : vector<1x16xf32> to vector<16xf32>
    %mul3A_1178 = arith.mulf %get3A_1177, %mul3A_1169 : vector<16xf32>
    %mul3A_1179 = arith.mulf %mul3A_1178, %get3A_1172 : vector<16xf32>
    %sub3A_1180 = arith.subf %sub3A_1150, %mul3A_1179 : vector<16xf32>
    %add3A_1181 = arith.addf %add3A_1151, %mul3A_1169 : vector<16xf32>
    %add3A_1182 = arith.constant 4 : i32
    %add3A_1183 = arith.addi %mul3A_9, %add3A_1182 : i32
    %convert_element_type3A_1184 = arith.sitofp %add3A_1183 : i32 to f32
    %sub3A_1185 = arith.constant 5.000000e+01 : f32
    %sub3A_1186 = arith.subf %sub3A_1185, %convert_element_type3A_1184 : f32
    %max3A_1187 = arith.constant 0.000000e+00 : f32
    %max3A_1188 = arith.maximumf %sub3A_1186, %max3A_1187 : f32
    %min3A_1189 = arith.constant 1.000000e+00 : f32
    %min3A_1190 = arith.minimumf %max3A_1188, %min3A_1189 : f32
    %mul3A_1191 = arith.mulf %min3A_1190, %min3A_7 : f32
    %broadcast_in_dim3A_1192 = vector.broadcast %mul3A_1191 : f32 to vector<16xf32>
    %mul3A_1193 = arith.constant 32 : i32
    %mul3A_1194 = arith.muli %and3A_3, %mul3A_1193 : i32
    %add3A_1195 = arith.constant 0 : i32
    %add3A_1196 = arith.addi %mul3A_1194, %add3A_1195 : i32
    %get3A_1197 = arith.constant 4 : i32
    %get3A_1198 = arith.index_cast %get3A_1197 : i32 to index
    %get3A_1199 = arith.index_cast %add3A_1196 : i32 to index
    %get3A_1200 = tpu.vector_load %arg8[%get3A_1198, %get3A_1199] {strides = array<i32>} : memref<8x128xi32, #tpu.memory_space<vmem>>, vector<1x16xi32>,
    %get3A_1201 = vector.shape_cast %get3A_1200 : vector<1x16xi32> to vector<16xi32>
    %gt3A_1202 = arith.constant 0 : i32
    %gt3A_1203 = vector.broadcast %gt3A_1202 : i32 to vector<16xi32>
    %gt3A_1204 = arith.cmpi sgt, %get3A_1201, %gt3A_1203 : vector<16xi32>
    %jit3A_1205 = arith.constant 1.000000e+00 : f32
    %jit3A_1206 = arith.constant 0.000000e+00 : f32
    %broadcast_in_dim3A_1207 = vector.broadcast %jit3A_1205 : f32 to vector<16xf32>
    %broadcast_in_dim3A_1208 = vector.broadcast %jit3A_1206 : f32 to vector<16xf32>
    %select_n3A_1209 = arith.select %gt3A_1204, %broadcast_in_dim3A_1207, %broadcast_in_dim3A_1208 : vector<16xi1>, vector<16xf32>
    %mul3A_1210 = arith.mulf %select_n3A_1209, %broadcast_in_dim3A_1192 : vector<16xf32>
    %get3A_1211 = arith.index_cast %add3A_1196 : i32 to index
    %get3A_1212 = tpu.vector_load %arg9[%get3A_1211] {strides = array<i32>} : memref<128xf32, #tpu.memory_space<vmem>>, vector<16xf32>,
    %get3A_1213 = vector.shape_cast %get3A_1212 : vector<16xf32> to vector<16xf32>
    %get3A_1214 = arith.constant 8 : i32
    %get3A_1215 = arith.index_cast %get3A_1214 : i32 to index
    %get3A_1216 = arith.constant 0 : index
    %get3A_1217 = tpu.vector_load %arg15[%get3A_1215, %get3A_1216] {strides = array<i32>} : memref<16x16xf32, #tpu.memory_space<vmem>>, vector<1x16xf32>,
    %get3A_1218 = vector.shape_cast %get3A_1217 : vector<1x16xf32> to vector<16xf32>
    %mul3A_1219 = arith.mulf %get3A_1218, %mul3A_1210 : vector<16xf32>
    %mul3A_1220 = arith.mulf %mul3A_1219, %get3A_1213 : vector<16xf32>
    %sub3A_1221 = arith.subf %sub3A_1180, %mul3A_1220 : vector<16xf32>
    %add3A_1222 = arith.addf %add3A_1181, %mul3A_1210 : vector<16xf32>
    %mul3A_1223 = arith.constant 32 : i32
    %mul3A_1224 = arith.muli %and3A_3, %mul3A_1223 : i32
    %add3A_1225 = arith.constant 16 : i32
    %add3A_1226 = arith.addi %mul3A_1224, %add3A_1225 : i32
    %get3A_1227 = arith.constant 4 : i32
    %get3A_1228 = arith.index_cast %get3A_1227 : i32 to index
    %get3A_1229 = arith.index_cast %add3A_1226 : i32 to index
    %get3A_1230 = tpu.vector_load %arg8[%get3A_1228, %get3A_1229] {strides = array<i32>} : memref<8x128xi32, #tpu.memory_space<vmem>>, vector<1x16xi32>,
    %get3A_1231 = vector.shape_cast %get3A_1230 : vector<1x16xi32> to vector<16xi32>
    %gt3A_1232 = arith.constant 0 : i32
    %gt3A_1233 = vector.broadcast %gt3A_1232 : i32 to vector<16xi32>
    %gt3A_1234 = arith.cmpi sgt, %get3A_1231, %gt3A_1233 : vector<16xi32>
    %jit3A_1235 = arith.constant 1.000000e+00 : f32
    %jit3A_1236 = arith.constant 0.000000e+00 : f32
    %broadcast_in_dim3A_1237 = vector.broadcast %jit3A_1235 : f32 to vector<16xf32>
    %broadcast_in_dim3A_1238 = vector.broadcast %jit3A_1236 : f32 to vector<16xf32>
    %select_n3A_1239 = arith.select %gt3A_1234, %broadcast_in_dim3A_1237, %broadcast_in_dim3A_1238 : vector<16xi1>, vector<16xf32>
    %mul3A_1240 = arith.mulf %select_n3A_1239, %broadcast_in_dim3A_1192 : vector<16xf32>
    %get3A_1241 = arith.index_cast %add3A_1226 : i32 to index
    %get3A_1242 = tpu.vector_load %arg9[%get3A_1241] {strides = array<i32>} : memref<128xf32, #tpu.memory_space<vmem>>, vector<16xf32>,
    %get3A_1243 = vector.shape_cast %get3A_1242 : vector<16xf32> to vector<16xf32>
    %get3A_1244 = arith.constant 9 : i32
    %get3A_1245 = arith.index_cast %get3A_1244 : i32 to index
    %get3A_1246 = arith.constant 0 : index
    %get3A_1247 = tpu.vector_load %arg15[%get3A_1245, %get3A_1246] {strides = array<i32>} : memref<16x16xf32, #tpu.memory_space<vmem>>, vector<1x16xf32>,
    %get3A_1248 = vector.shape_cast %get3A_1247 : vector<1x16xf32> to vector<16xf32>
    %mul3A_1249 = arith.mulf %get3A_1248, %mul3A_1240 : vector<16xf32>
    %mul3A_1250 = arith.mulf %mul3A_1249, %get3A_1243 : vector<16xf32>
    %sub3A_1251 = arith.subf %sub3A_1221, %mul3A_1250 : vector<16xf32>
    %add3A_1252 = arith.addf %add3A_1222, %mul3A_1240 : vector<16xf32>
    %add3A_1253 = arith.constant 5 : i32
    %add3A_1254 = arith.addi %mul3A_9, %add3A_1253 : i32
    %convert_element_type3A_1255 = arith.sitofp %add3A_1254 : i32 to f32
    %sub3A_1256 = arith.constant 5.000000e+01 : f32
    %sub3A_1257 = arith.subf %sub3A_1256, %convert_element_type3A_1255 : f32
    %max3A_1258 = arith.constant 0.000000e+00 : f32
    %max3A_1259 = arith.maximumf %sub3A_1257, %max3A_1258 : f32
    %min3A_1260 = arith.constant 1.000000e+00 : f32
    %min3A_1261 = arith.minimumf %max3A_1259, %min3A_1260 : f32
    %mul3A_1262 = arith.mulf %min3A_1261, %min3A_7 : f32
    %broadcast_in_dim3A_1263 = vector.broadcast %mul3A_1262 : f32 to vector<16xf32>
    %mul3A_1264 = arith.constant 32 : i32
    %mul3A_1265 = arith.muli %and3A_3, %mul3A_1264 : i32
    %add3A_1266 = arith.constant 0 : i32
    %add3A_1267 = arith.addi %mul3A_1265, %add3A_1266 : i32
    %get3A_1268 = arith.constant 5 : i32
    %get3A_1269 = arith.index_cast %get3A_1268 : i32 to index
    %get3A_1270 = arith.index_cast %add3A_1267 : i32 to index
    %get3A_1271 = tpu.vector_load %arg8[%get3A_1269, %get3A_1270] {strides = array<i32>} : memref<8x128xi32, #tpu.memory_space<vmem>>, vector<1x16xi32>,
    %get3A_1272 = vector.shape_cast %get3A_1271 : vector<1x16xi32> to vector<16xi32>
    %gt3A_1273 = arith.constant 0 : i32
    %gt3A_1274 = vector.broadcast %gt3A_1273 : i32 to vector<16xi32>
    %gt3A_1275 = arith.cmpi sgt, %get3A_1272, %gt3A_1274 : vector<16xi32>
    %jit3A_1276 = arith.constant 1.000000e+00 : f32
    %jit3A_1277 = arith.constant 0.000000e+00 : f32
    %broadcast_in_dim3A_1278 = vector.broadcast %jit3A_1276 : f32 to vector<16xf32>
    %broadcast_in_dim3A_1279 = vector.broadcast %jit3A_1277 : f32 to vector<16xf32>
    %select_n3A_1280 = arith.select %gt3A_1275, %broadcast_in_dim3A_1278, %broadcast_in_dim3A_1279 : vector<16xi1>, vector<16xf32>
    %mul3A_1281 = arith.mulf %select_n3A_1280, %broadcast_in_dim3A_1263 : vector<16xf32>
    %get3A_1282 = arith.index_cast %add3A_1267 : i32 to index
    %get3A_1283 = tpu.vector_load %arg9[%get3A_1282] {strides = array<i32>} : memref<128xf32, #tpu.memory_space<vmem>>, vector<16xf32>,
    %get3A_1284 = vector.shape_cast %get3A_1283 : vector<16xf32> to vector<16xf32>
    %get3A_1285 = arith.constant 10 : i32
    %get3A_1286 = arith.index_cast %get3A_1285 : i32 to index
    %get3A_1287 = arith.constant 0 : index
    %get3A_1288 = tpu.vector_load %arg15[%get3A_1286, %get3A_1287] {strides = array<i32>} : memref<16x16xf32, #tpu.memory_space<vmem>>, vector<1x16xf32>,
    %get3A_1289 = vector.shape_cast %get3A_1288 : vector<1x16xf32> to vector<16xf32>
    %mul3A_1290 = arith.mulf %get3A_1289, %mul3A_1281 : vector<16xf32>
    %mul3A_1291 = arith.mulf %mul3A_1290, %get3A_1284 : vector<16xf32>
    %sub3A_1292 = arith.subf %sub3A_1251, %mul3A_1291 : vector<16xf32>
    %add3A_1293 = arith.addf %add3A_1252, %mul3A_1281 : vector<16xf32>
    %mul3A_1294 = arith.constant 32 : i32
    %mul3A_1295 = arith.muli %and3A_3, %mul3A_1294 : i32
    %add3A_1296 = arith.constant 16 : i32
    %add3A_1297 = arith.addi %mul3A_1295, %add3A_1296 : i32
    %get3A_1298 = arith.constant 5 : i32
    %get3A_1299 = arith.index_cast %get3A_1298 : i32 to index
    %get3A_1300 = arith.index_cast %add3A_1297 : i32 to index
    %get3A_1301 = tpu.vector_load %arg8[%get3A_1299, %get3A_1300] {strides = array<i32>} : memref<8x128xi32, #tpu.memory_space<vmem>>, vector<1x16xi32>,
    %get3A_1302 = vector.shape_cast %get3A_1301 : vector<1x16xi32> to vector<16xi32>
    %gt3A_1303 = arith.constant 0 : i32
    %gt3A_1304 = vector.broadcast %gt3A_1303 : i32 to vector<16xi32>
    %gt3A_1305 = arith.cmpi sgt, %get3A_1302, %gt3A_1304 : vector<16xi32>
    %jit3A_1306 = arith.constant 1.000000e+00 : f32
    %jit3A_1307 = arith.constant 0.000000e+00 : f32
    %broadcast_in_dim3A_1308 = vector.broadcast %jit3A_1306 : f32 to vector<16xf32>
    %broadcast_in_dim3A_1309 = vector.broadcast %jit3A_1307 : f32 to vector<16xf32>
    %select_n3A_1310 = arith.select %gt3A_1305, %broadcast_in_dim3A_1308, %broadcast_in_dim3A_1309 : vector<16xi1>, vector<16xf32>
    %mul3A_1311 = arith.mulf %select_n3A_1310, %broadcast_in_dim3A_1263 : vector<16xf32>
    %get3A_1312 = arith.index_cast %add3A_1297 : i32 to index
    %get3A_1313 = tpu.vector_load %arg9[%get3A_1312] {strides = array<i32>} : memref<128xf32, #tpu.memory_space<vmem>>, vector<16xf32>,
    %get3A_1314 = vector.shape_cast %get3A_1313 : vector<16xf32> to vector<16xf32>
    %get3A_1315 = arith.constant 11 : i32
    %get3A_1316 = arith.index_cast %get3A_1315 : i32 to index
    %get3A_1317 = arith.constant 0 : index
    %get3A_1318 = tpu.vector_load %arg15[%get3A_1316, %get3A_1317] {strides = array<i32>} : memref<16x16xf32, #tpu.memory_space<vmem>>, vector<1x16xf32>,
    %get3A_1319 = vector.shape_cast %get3A_1318 : vector<1x16xf32> to vector<16xf32>
    %mul3A_1320 = arith.mulf %get3A_1319, %mul3A_1311 : vector<16xf32>
    %mul3A_1321 = arith.mulf %mul3A_1320, %get3A_1314 : vector<16xf32>
    %sub3A_1322 = arith.subf %sub3A_1292, %mul3A_1321 : vector<16xf32>
    %add3A_1323 = arith.addf %add3A_1293, %mul3A_1311 : vector<16xf32>
    %add3A_1324 = arith.constant 6 : i32
    %add3A_1325 = arith.addi %mul3A_9, %add3A_1324 : i32
    %convert_element_type3A_1326 = arith.sitofp %add3A_1325 : i32 to f32
    %sub3A_1327 = arith.constant 5.000000e+01 : f32
    %sub3A_1328 = arith.subf %sub3A_1327, %convert_element_type3A_1326 : f32
    %max3A_1329 = arith.constant 0.000000e+00 : f32
    %max3A_1330 = arith.maximumf %sub3A_1328, %max3A_1329 : f32
    %min3A_1331 = arith.constant 1.000000e+00 : f32
    %min3A_1332 = arith.minimumf %max3A_1330, %min3A_1331 : f32
    %mul3A_1333 = arith.mulf %min3A_1332, %min3A_7 : f32
    %broadcast_in_dim3A_1334 = vector.broadcast %mul3A_1333 : f32 to vector<16xf32>
    %mul3A_1335 = arith.constant 32 : i32
    %mul3A_1336 = arith.muli %and3A_3, %mul3A_1335 : i32
    %add3A_1337 = arith.constant 0 : i32
    %add3A_1338 = arith.addi %mul3A_1336, %add3A_1337 : i32
    %get3A_1339 = arith.constant 6 : i32
    %get3A_1340 = arith.index_cast %get3A_1339 : i32 to index
    %get3A_1341 = arith.index_cast %add3A_1338 : i32 to index
    %get3A_1342 = tpu.vector_load %arg8[%get3A_1340, %get3A_1341] {strides = array<i32>} : memref<8x128xi32, #tpu.memory_space<vmem>>, vector<1x16xi32>,
    %get3A_1343 = vector.shape_cast %get3A_1342 : vector<1x16xi32> to vector<16xi32>
    %gt3A_1344 = arith.constant 0 : i32
    %gt3A_1345 = vector.broadcast %gt3A_1344 : i32 to vector<16xi32>
    %gt3A_1346 = arith.cmpi sgt, %get3A_1343, %gt3A_1345 : vector<16xi32>
    %jit3A_1347 = arith.constant 1.000000e+00 : f32
    %jit3A_1348 = arith.constant 0.000000e+00 : f32
    %broadcast_in_dim3A_1349 = vector.broadcast %jit3A_1347 : f32 to vector<16xf32>
    %broadcast_in_dim3A_1350 = vector.broadcast %jit3A_1348 : f32 to vector<16xf32>
    %select_n3A_1351 = arith.select %gt3A_1346, %broadcast_in_dim3A_1349, %broadcast_in_dim3A_1350 : vector<16xi1>, vector<16xf32>
    %mul3A_1352 = arith.mulf %select_n3A_1351, %broadcast_in_dim3A_1334 : vector<16xf32>
    %get3A_1353 = arith.index_cast %add3A_1338 : i32 to index
    %get3A_1354 = tpu.vector_load %arg9[%get3A_1353] {strides = array<i32>} : memref<128xf32, #tpu.memory_space<vmem>>, vector<16xf32>,
    %get3A_1355 = vector.shape_cast %get3A_1354 : vector<16xf32> to vector<16xf32>
    %get3A_1356 = arith.constant 12 : i32
    %get3A_1357 = arith.index_cast %get3A_1356 : i32 to index
    %get3A_1358 = arith.constant 0 : index
    %get3A_1359 = tpu.vector_load %arg15[%get3A_1357, %get3A_1358] {strides = array<i32>} : memref<16x16xf32, #tpu.memory_space<vmem>>, vector<1x16xf32>,
    %get3A_1360 = vector.shape_cast %get3A_1359 : vector<1x16xf32> to vector<16xf32>
    %mul3A_1361 = arith.mulf %get3A_1360, %mul3A_1352 : vector<16xf32>
    %mul3A_1362 = arith.mulf %mul3A_1361, %get3A_1355 : vector<16xf32>
    %sub3A_1363 = arith.subf %sub3A_1322, %mul3A_1362 : vector<16xf32>
    %add3A_1364 = arith.addf %add3A_1323, %mul3A_1352 : vector<16xf32>
    %mul3A_1365 = arith.constant 32 : i32
    %mul3A_1366 = arith.muli %and3A_3, %mul3A_1365 : i32
    %add3A_1367 = arith.constant 16 : i32
    %add3A_1368 = arith.addi %mul3A_1366, %add3A_1367 : i32
    %get3A_1369 = arith.constant 6 : i32
    %get3A_1370 = arith.index_cast %get3A_1369 : i32 to index
    %get3A_1371 = arith.index_cast %add3A_1368 : i32 to index
    %get3A_1372 = tpu.vector_load %arg8[%get3A_1370, %get3A_1371] {strides = array<i32>} : memref<8x128xi32, #tpu.memory_space<vmem>>, vector<1x16xi32>,
    %get3A_1373 = vector.shape_cast %get3A_1372 : vector<1x16xi32> to vector<16xi32>
    %gt3A_1374 = arith.constant 0 : i32
    %gt3A_1375 = vector.broadcast %gt3A_1374 : i32 to vector<16xi32>
    %gt3A_1376 = arith.cmpi sgt, %get3A_1373, %gt3A_1375 : vector<16xi32>
    %jit3A_1377 = arith.constant 1.000000e+00 : f32
    %jit3A_1378 = arith.constant 0.000000e+00 : f32
    %broadcast_in_dim3A_1379 = vector.broadcast %jit3A_1377 : f32 to vector<16xf32>
    %broadcast_in_dim3A_1380 = vector.broadcast %jit3A_1378 : f32 to vector<16xf32>
    %select_n3A_1381 = arith.select %gt3A_1376, %broadcast_in_dim3A_1379, %broadcast_in_dim3A_1380 : vector<16xi1>, vector<16xf32>
    %mul3A_1382 = arith.mulf %select_n3A_1381, %broadcast_in_dim3A_1334 : vector<16xf32>
    %get3A_1383 = arith.index_cast %add3A_1368 : i32 to index
    %get3A_1384 = tpu.vector_load %arg9[%get3A_1383] {strides = array<i32>} : memref<128xf32, #tpu.memory_space<vmem>>, vector<16xf32>,
    %get3A_1385 = vector.shape_cast %get3A_1384 : vector<16xf32> to vector<16xf32>
    %get3A_1386 = arith.constant 13 : i32
    %get3A_1387 = arith.index_cast %get3A_1386 : i32 to index
    %get3A_1388 = arith.constant 0 : index
    %get3A_1389 = tpu.vector_load %arg15[%get3A_1387, %get3A_1388] {strides = array<i32>} : memref<16x16xf32, #tpu.memory_space<vmem>>, vector<1x16xf32>,
    %get3A_1390 = vector.shape_cast %get3A_1389 : vector<1x16xf32> to vector<16xf32>
    %mul3A_1391 = arith.mulf %get3A_1390, %mul3A_1382 : vector<16xf32>
    %mul3A_1392 = arith.mulf %mul3A_1391, %get3A_1385 : vector<16xf32>
    %sub3A_1393 = arith.subf %sub3A_1363, %mul3A_1392 : vector<16xf32>
    %add3A_1394 = arith.addf %add3A_1364, %mul3A_1382 : vector<16xf32>
    %add3A_1395 = arith.constant 7 : i32
    %add3A_1396 = arith.addi %mul3A_9, %add3A_1395 : i32
    %convert_element_type3A_1397 = arith.sitofp %add3A_1396 : i32 to f32
    %sub3A_1398 = arith.constant 5.000000e+01 : f32
    %sub3A_1399 = arith.subf %sub3A_1398, %convert_element_type3A_1397 : f32
    %max3A_1400 = arith.constant 0.000000e+00 : f32
    %max3A_1401 = arith.maximumf %sub3A_1399, %max3A_1400 : f32
    %min3A_1402 = arith.constant 1.000000e+00 : f32
    %min3A_1403 = arith.minimumf %max3A_1401, %min3A_1402 : f32
    %mul3A_1404 = arith.mulf %min3A_1403, %min3A_7 : f32
    %broadcast_in_dim3A_1405 = vector.broadcast %mul3A_1404 : f32 to vector<16xf32>
    %mul3A_1406 = arith.constant 32 : i32
    %mul3A_1407 = arith.muli %and3A_3, %mul3A_1406 : i32
    %add3A_1408 = arith.constant 0 : i32
    %add3A_1409 = arith.addi %mul3A_1407, %add3A_1408 : i32
    %get3A_1410 = arith.constant 7 : i32
    %get3A_1411 = arith.index_cast %get3A_1410 : i32 to index
    %get3A_1412 = arith.index_cast %add3A_1409 : i32 to index
    %get3A_1413 = tpu.vector_load %arg8[%get3A_1411, %get3A_1412] {strides = array<i32>} : memref<8x128xi32, #tpu.memory_space<vmem>>, vector<1x16xi32>,
    %get3A_1414 = vector.shape_cast %get3A_1413 : vector<1x16xi32> to vector<16xi32>
    %gt3A_1415 = arith.constant 0 : i32
    %gt3A_1416 = vector.broadcast %gt3A_1415 : i32 to vector<16xi32>
    %gt3A_1417 = arith.cmpi sgt, %get3A_1414, %gt3A_1416 : vector<16xi32>
    %jit3A_1418 = arith.constant 1.000000e+00 : f32
    %jit3A_1419 = arith.constant 0.000000e+00 : f32
    %broadcast_in_dim3A_1420 = vector.broadcast %jit3A_1418 : f32 to vector<16xf32>
    %broadcast_in_dim3A_1421 = vector.broadcast %jit3A_1419 : f32 to vector<16xf32>
    %select_n3A_1422 = arith.select %gt3A_1417, %broadcast_in_dim3A_1420, %broadcast_in_dim3A_1421 : vector<16xi1>, vector<16xf32>
    %mul3A_1423 = arith.mulf %select_n3A_1422, %broadcast_in_dim3A_1405 : vector<16xf32>
    %get3A_1424 = arith.index_cast %add3A_1409 : i32 to index
    %get3A_1425 = tpu.vector_load %arg9[%get3A_1424] {strides = array<i32>} : memref<128xf32, #tpu.memory_space<vmem>>, vector<16xf32>,
    %get3A_1426 = vector.shape_cast %get3A_1425 : vector<16xf32> to vector<16xf32>
    %get3A_1427 = arith.constant 14 : i32
    %get3A_1428 = arith.index_cast %get3A_1427 : i32 to index
    %get3A_1429 = arith.constant 0 : index
    %get3A_1430 = tpu.vector_load %arg15[%get3A_1428, %get3A_1429] {strides = array<i32>} : memref<16x16xf32, #tpu.memory_space<vmem>>, vector<1x16xf32>,
    %get3A_1431 = vector.shape_cast %get3A_1430 : vector<1x16xf32> to vector<16xf32>
    %mul3A_1432 = arith.mulf %get3A_1431, %mul3A_1423 : vector<16xf32>
    %mul3A_1433 = arith.mulf %mul3A_1432, %get3A_1426 : vector<16xf32>
    %sub3A_1434 = arith.subf %sub3A_1393, %mul3A_1433 : vector<16xf32>
    %add3A_1435 = arith.addf %add3A_1394, %mul3A_1423 : vector<16xf32>
    %mul3A_1436 = arith.constant 32 : i32
    %mul3A_1437 = arith.muli %and3A_3, %mul3A_1436 : i32
    %add3A_1438 = arith.constant 16 : i32
    %add3A_1439 = arith.addi %mul3A_1437, %add3A_1438 : i32
    %get3A_1440 = arith.constant 7 : i32
    %get3A_1441 = arith.index_cast %get3A_1440 : i32 to index
    %get3A_1442 = arith.index_cast %add3A_1439 : i32 to index
    %get3A_1443 = tpu.vector_load %arg8[%get3A_1441, %get3A_1442] {strides = array<i32>} : memref<8x128xi32, #tpu.memory_space<vmem>>, vector<1x16xi32>,
    %get3A_1444 = vector.shape_cast %get3A_1443 : vector<1x16xi32> to vector<16xi32>
    %gt3A_1445 = arith.constant 0 : i32
    %gt3A_1446 = vector.broadcast %gt3A_1445 : i32 to vector<16xi32>
    %gt3A_1447 = arith.cmpi sgt, %get3A_1444, %gt3A_1446 : vector<16xi32>
    %jit3A_1448 = arith.constant 1.000000e+00 : f32
    %jit3A_1449 = arith.constant 0.000000e+00 : f32
    %broadcast_in_dim3A_1450 = vector.broadcast %jit3A_1448 : f32 to vector<16xf32>
    %broadcast_in_dim3A_1451 = vector.broadcast %jit3A_1449 : f32 to vector<16xf32>
    %select_n3A_1452 = arith.select %gt3A_1447, %broadcast_in_dim3A_1450, %broadcast_in_dim3A_1451 : vector<16xi1>, vector<16xf32>
    %mul3A_1453 = arith.mulf %select_n3A_1452, %broadcast_in_dim3A_1405 : vector<16xf32>
    %get3A_1454 = arith.index_cast %add3A_1439 : i32 to index
    %get3A_1455 = tpu.vector_load %arg9[%get3A_1454] {strides = array<i32>} : memref<128xf32, #tpu.memory_space<vmem>>, vector<16xf32>,
    %get3A_1456 = vector.shape_cast %get3A_1455 : vector<16xf32> to vector<16xf32>
    %get3A_1457 = arith.constant 15 : i32
    %get3A_1458 = arith.index_cast %get3A_1457 : i32 to index
    %get3A_1459 = arith.constant 0 : index
    %get3A_1460 = tpu.vector_load %arg15[%get3A_1458, %get3A_1459] {strides = array<i32>} : memref<16x16xf32, #tpu.memory_space<vmem>>, vector<1x16xf32>,
    %get3A_1461 = vector.shape_cast %get3A_1460 : vector<1x16xf32> to vector<16xf32>
    %mul3A_1462 = arith.mulf %get3A_1461, %mul3A_1453 : vector<16xf32>
    %mul3A_1463 = arith.mulf %mul3A_1462, %get3A_1456 : vector<16xf32>
    %sub3A_1464 = arith.subf %sub3A_1434, %mul3A_1463 : vector<16xf32>
    %add3A_1465 = arith.addf %add3A_1435, %mul3A_1453 : vector<16xf32>
    %xor3A_1466 = arith.constant 8 : i32
    %xor3A_1467 = vector.broadcast %xor3A_1466 : i32 to vector<16xi32>
    %xor3A_1468 = arith.xori %iota3A, %xor3A_1467 : vector<16xi32>
    %lt3A_1469 = arith.constant 0 : i32
    %lt3A_1470 = vector.broadcast %lt3A_1469 : i32 to vector<16xi32>
    %lt3A_1471 = arith.cmpi slt, %xor3A_1468, %lt3A_1470 : vector<16xi32>
    %add3A_1472 = arith.constant 16 : i32
    %add3A_1473 = vector.broadcast %add3A_1472 : i32 to vector<16xi32>
    %add3A_1474 = arith.addi %xor3A_1468, %add3A_1473 : vector<16xi32>
    %select_n3A_1475 = arith.select %lt3A_1471, %add3A_1474, %xor3A_1468 : vector<16xi1>, vector<16xi32>
    %broadcast_in_dim3A_1476 = vector.shape_cast %select_n3A_1475 : vector<16xi32> to vector<16x1xi32>
    %gather3A_1477 = vector.shape_cast %broadcast_in_dim3A_1476 : vector<16x1xi32> to vector<16xi32>
    %gather3A_1478 = tpu.dynamic_gather %sub3A_1464[%gather3A_1477] in [0] : vector<16xf32>, vector<16xi32> -> vector<16xf32>
    %add3A_1479 = arith.addf %sub3A_1464, %gather3A_1478 : vector<16xf32>
    %xor3A_1480 = arith.constant 4 : i32
    %xor3A_1481 = vector.broadcast %xor3A_1480 : i32 to vector<16xi32>
    %xor3A_1482 = arith.xori %iota3A, %xor3A_1481 : vector<16xi32>
    %lt3A_1483 = arith.constant 0 : i32
    %lt3A_1484 = vector.broadcast %lt3A_1483 : i32 to vector<16xi32>
    %lt3A_1485 = arith.cmpi slt, %xor3A_1482, %lt3A_1484 : vector<16xi32>
    %add3A_1486 = arith.constant 16 : i32
    %add3A_1487 = vector.broadcast %add3A_1486 : i32 to vector<16xi32>
    %add3A_1488 = arith.addi %xor3A_1482, %add3A_1487 : vector<16xi32>
    %select_n3A_1489 = arith.select %lt3A_1485, %add3A_1488, %xor3A_1482 : vector<16xi1>, vector<16xi32>
    %broadcast_in_dim3A_1490 = vector.shape_cast %select_n3A_1489 : vector<16xi32> to vector<16x1xi32>
    %gather3A_1491 = vector.shape_cast %broadcast_in_dim3A_1490 : vector<16x1xi32> to vector<16xi32>
    %gather3A_1492 = tpu.dynamic_gather %add3A_1479[%gather3A_1491] in [0] : vector<16xf32>, vector<16xi32> -> vector<16xf32>
    %add3A_1493 = arith.addf %add3A_1479, %gather3A_1492 : vector<16xf32>
    %xor3A_1494 = arith.constant 2 : i32
    %xor3A_1495 = vector.broadcast %xor3A_1494 : i32 to vector<16xi32>
    %xor3A_1496 = arith.xori %iota3A, %xor3A_1495 : vector<16xi32>
    %lt3A_1497 = arith.constant 0 : i32
    %lt3A_1498 = vector.broadcast %lt3A_1497 : i32 to vector<16xi32>
    %lt3A_1499 = arith.cmpi slt, %xor3A_1496, %lt3A_1498 : vector<16xi32>
    %add3A_1500 = arith.constant 16 : i32
    %add3A_1501 = vector.broadcast %add3A_1500 : i32 to vector<16xi32>
    %add3A_1502 = arith.addi %xor3A_1496, %add3A_1501 : vector<16xi32>
    %select_n3A_1503 = arith.select %lt3A_1499, %add3A_1502, %xor3A_1496 : vector<16xi1>, vector<16xi32>
    %broadcast_in_dim3A_1504 = vector.shape_cast %select_n3A_1503 : vector<16xi32> to vector<16x1xi32>
    %gather3A_1505 = vector.shape_cast %broadcast_in_dim3A_1504 : vector<16x1xi32> to vector<16xi32>
    %gather3A_1506 = tpu.dynamic_gather %add3A_1493[%gather3A_1505] in [0] : vector<16xf32>, vector<16xi32> -> vector<16xf32>
    %add3A_1507 = arith.addf %add3A_1493, %gather3A_1506 : vector<16xf32>
    %xor3A_1508 = arith.constant 1 : i32
    %xor3A_1509 = vector.broadcast %xor3A_1508 : i32 to vector<16xi32>
    %xor3A_1510 = arith.xori %iota3A, %xor3A_1509 : vector<16xi32>
    %lt3A_1511 = arith.constant 0 : i32
    %lt3A_1512 = vector.broadcast %lt3A_1511 : i32 to vector<16xi32>
    %lt3A_1513 = arith.cmpi slt, %xor3A_1510, %lt3A_1512 : vector<16xi32>
    %add3A_1514 = arith.constant 16 : i32
    %add3A_1515 = vector.broadcast %add3A_1514 : i32 to vector<16xi32>
    %add3A_1516 = arith.addi %xor3A_1510, %add3A_1515 : vector<16xi32>
    %select_n3A_1517 = arith.select %lt3A_1513, %add3A_1516, %xor3A_1510 : vector<16xi1>, vector<16xi32>
    %broadcast_in_dim3A_1518 = vector.shape_cast %select_n3A_1517 : vector<16xi32> to vector<16x1xi32>
    %gather3A_1519 = vector.shape_cast %broadcast_in_dim3A_1518 : vector<16x1xi32> to vector<16xi32>
    %gather3A_1520 = tpu.dynamic_gather %add3A_1507[%gather3A_1519] in [0] : vector<16xf32>, vector<16xi32> -> vector<16xf32>
    %add3A_1521 = arith.addf %add3A_1507, %gather3A_1520 : vector<16xf32>
    %xor3A_1522 = arith.constant 8 : i32
    %xor3A_1523 = vector.broadcast %xor3A_1522 : i32 to vector<16xi32>
    %xor3A_1524 = arith.xori %iota3A, %xor3A_1523 : vector<16xi32>
    %lt3A_1525 = arith.constant 0 : i32
    %lt3A_1526 = vector.broadcast %lt3A_1525 : i32 to vector<16xi32>
    %lt3A_1527 = arith.cmpi slt, %xor3A_1524, %lt3A_1526 : vector<16xi32>
    %add3A_1528 = arith.constant 16 : i32
    %add3A_1529 = vector.broadcast %add3A_1528 : i32 to vector<16xi32>
    %add3A_1530 = arith.addi %xor3A_1524, %add3A_1529 : vector<16xi32>
    %select_n3A_1531 = arith.select %lt3A_1527, %add3A_1530, %xor3A_1524 : vector<16xi1>, vector<16xi32>
    %broadcast_in_dim3A_1532 = vector.shape_cast %select_n3A_1531 : vector<16xi32> to vector<16x1xi32>
    %gather3A_1533 = vector.shape_cast %broadcast_in_dim3A_1532 : vector<16x1xi32> to vector<16xi32>
    %gather3A_1534 = tpu.dynamic_gather %add3A_1465[%gather3A_1533] in [0] : vector<16xf32>, vector<16xi32> -> vector<16xf32>
    %add3A_1535 = arith.addf %add3A_1465, %gather3A_1534 : vector<16xf32>
    %xor3A_1536 = arith.constant 4 : i32
    %xor3A_1537 = vector.broadcast %xor3A_1536 : i32 to vector<16xi32>
    %xor3A_1538 = arith.xori %iota3A, %xor3A_1537 : vector<16xi32>
    %lt3A_1539 = arith.constant 0 : i32
    %lt3A_1540 = vector.broadcast %lt3A_1539 : i32 to vector<16xi32>
    %lt3A_1541 = arith.cmpi slt, %xor3A_1538, %lt3A_1540 : vector<16xi32>
    %add3A_1542 = arith.constant 16 : i32
    %add3A_1543 = vector.broadcast %add3A_1542 : i32 to vector<16xi32>
    %add3A_1544 = arith.addi %xor3A_1538, %add3A_1543 : vector<16xi32>
    %select_n3A_1545 = arith.select %lt3A_1541, %add3A_1544, %xor3A_1538 : vector<16xi1>, vector<16xi32>
    %broadcast_in_dim3A_1546 = vector.shape_cast %select_n3A_1545 : vector<16xi32> to vector<16x1xi32>
    %gather3A_1547 = vector.shape_cast %broadcast_in_dim3A_1546 : vector<16x1xi32> to vector<16xi32>
    %gather3A_1548 = tpu.dynamic_gather %add3A_1535[%gather3A_1547] in [0] : vector<16xf32>, vector<16xi32> -> vector<16xf32>
    %add3A_1549 = arith.addf %add3A_1535, %gather3A_1548 : vector<16xf32>
    %xor3A_1550 = arith.constant 2 : i32
    %xor3A_1551 = vector.broadcast %xor3A_1550 : i32 to vector<16xi32>
    %xor3A_1552 = arith.xori %iota3A, %xor3A_1551 : vector<16xi32>
    %lt3A_1553 = arith.constant 0 : i32
    %lt3A_1554 = vector.broadcast %lt3A_1553 : i32 to vector<16xi32>
    %lt3A_1555 = arith.cmpi slt, %xor3A_1552, %lt3A_1554 : vector<16xi32>
    %add3A_1556 = arith.constant 16 : i32
    %add3A_1557 = vector.broadcast %add3A_1556 : i32 to vector<16xi32>
    %add3A_1558 = arith.addi %xor3A_1552, %add3A_1557 : vector<16xi32>
    %select_n3A_1559 = arith.select %lt3A_1555, %add3A_1558, %xor3A_1552 : vector<16xi1>, vector<16xi32>
    %broadcast_in_dim3A_1560 = vector.shape_cast %select_n3A_1559 : vector<16xi32> to vector<16x1xi32>
    %gather3A_1561 = vector.shape_cast %broadcast_in_dim3A_1560 : vector<16x1xi32> to vector<16xi32>
    %gather3A_1562 = tpu.dynamic_gather %add3A_1549[%gather3A_1561] in [0] : vector<16xf32>, vector<16xi32> -> vector<16xf32>
    %add3A_1563 = arith.addf %add3A_1549, %gather3A_1562 : vector<16xf32>
    %xor3A_1564 = arith.constant 1 : i32
    %xor3A_1565 = vector.broadcast %xor3A_1564 : i32 to vector<16xi32>
    %xor3A_1566 = arith.xori %iota3A, %xor3A_1565 : vector<16xi32>
    %lt3A_1567 = arith.constant 0 : i32
    %lt3A_1568 = vector.broadcast %lt3A_1567 : i32 to vector<16xi32>
    %lt3A_1569 = arith.cmpi slt, %xor3A_1566, %lt3A_1568 : vector<16xi32>
    %add3A_1570 = arith.constant 16 : i32
    %add3A_1571 = vector.broadcast %add3A_1570 : i32 to vector<16xi32>
    %add3A_1572 = arith.addi %xor3A_1566, %add3A_1571 : vector<16xi32>
    %select_n3A_1573 = arith.select %lt3A_1569, %add3A_1572, %xor3A_1566 : vector<16xi1>, vector<16xi32>
    %broadcast_in_dim3A_1574 = vector.shape_cast %select_n3A_1573 : vector<16xi32> to vector<16x1xi32>
    %gather3A_1575 = vector.shape_cast %broadcast_in_dim3A_1574 : vector<16x1xi32> to vector<16xi32>
    %gather3A_1576 = tpu.dynamic_gather %add3A_1563[%gather3A_1575] in [0] : vector<16xf32>, vector<16xi32> -> vector<16xf32>
    %add3A_1577 = arith.addf %add3A_1563, %gather3A_1576 : vector<16xf32>
    %eq3A = arith.constant 0 : i32
    %eq3A_1578 = vector.broadcast %eq3A : i32 to vector<16xi32>
    %eq3A_1579 = arith.cmpi eq, %iota3A, %eq3A_1578 : vector<16xi32>
    %eq3A_1580 = arith.constant 1 : i32
    %eq3A_1581 = vector.broadcast %eq3A_1580 : i32 to vector<16xi32>
    %eq3A_1582 = arith.cmpi eq, %iota3A, %eq3A_1581 : vector<16xi32>
    %jit3A_1583 = arith.constant 0.000000e+00 : f32
    %broadcast_in_dim3A_1584 = vector.broadcast %jit3A_1583 : f32 to vector<16xf32>
    %select_n3A_1585 = arith.select %eq3A_1582, %add3A_1577, %broadcast_in_dim3A_1584 : vector<16xi1>, vector<16xf32>
    %select_n3A_1586 = arith.select %eq3A_1579, %add3A_1521, %select_n3A_1585 : vector<16xi1>, vector<16xf32>
    %swap3A_1587 = arith.constant 0 : index
    %swap3A_1588 = tpu.vector_load %arg10[%swap3A_1587] {strides = array<i32>} : memref<16xf32, #tpu.memory_space<vmem>>, vector<16xf32>,
    %swap3A_1589 = vector.shape_cast %swap3A_1588 : vector<16xf32> to vector<16xf32>
    %swap3A_1590 = vector.shape_cast %select_n3A_1586 : vector<16xf32> to vector<16xf32>
    tpu.vector_store %arg10[%swap3A_1587], %swap3A_1590 {strides = array<i32>} : memref<16xf32, #tpu.memory_space<vmem>>, vector<16xf32>,
    %mul3A_1591 = arith.constant 16 : i32
    %mul3A_1592 = arith.muli %arg1, %mul3A_1591 : i32
    "tpu.region"() ({
      %run_scoped3A = tpu.sem_alloc : memref<!tpu.dma_semaphore, #tpu.memory_space<semaphore_mem>>
      %dma_start3A_1597 = tpu.memref_slice %arg13[%mul3A_1592] : memref<256xf32, #tpu.memory_space<vmem_shared>> -> memref<16xf32, #tpu.memory_space<vmem_shared>>
      %dma_start3A_1598 = tpu.memref_slice %arg13[%mul3A_1592] : memref<256xf32, #tpu.memory_space<vmem_shared>> -> memref<16xf32, #tpu.memory_space<vmem_shared>>
      tpu.enqueue_dma source(%arg10 : memref<16xf32, #tpu.memory_space<vmem>>) target(%dma_start3A_1598 : memref<16xf32, #tpu.memory_space<vmem_shared>>) target_semaphore(%run_scoped3A : memref<!tpu.dma_semaphore, #tpu.memory_space<semaphore_mem>>)
      %dma_wait3A_1599 = tpu.memref_slice %arg13[%mul3A_1592] : memref<256xf32, #tpu.memory_space<vmem_shared>> -> memref<16xf32, #tpu.memory_space<vmem_shared>>
      %dma_wait3A_1600 = tpu.memref_slice %arg13[%mul3A_1592] : memref<256xf32, #tpu.memory_space<vmem_shared>> -> memref<16xf32, #tpu.memory_space<vmem_shared>>
      tpu.wait_dma2 semaphore(%run_scoped3A : memref<!tpu.dma_semaphore, #tpu.memory_space<semaphore_mem>>) src(%arg10 : memref<16xf32, #tpu.memory_space<vmem>>) dst(%dma_wait3A_1600 : memref<16xf32, #tpu.memory_space<vmem_shared>>)
      tpu.yield
    }) : () -> ()
    %barrier3A = arith.constant 0 : index
    tpu.barrier barrier_id(%barrier3A)
    %eq3A_1593 = arith.constant 0 : i32
    %eq3A_1594 = arith.cmpi eq, %arg1, %eq3A_1593 : i32
    %convert_element_type3A_1595 = arith.extui %eq3A_1594 : i1 to i32
    %cond3A = arith.constant 0 : i32
    %cond3A_1596 = arith.cmpi ne, %convert_element_type3A_1595, %cond3A : i32
    scf.if %cond3A_1596 {
      "tpu.region"() ({
        %run_scoped3A = tpu.sem_alloc : memref<!tpu.dma_semaphore, #tpu.memory_space<semaphore_mem>>
        tpu.enqueue_dma source(%arg13 : memref<256xf32, #tpu.memory_space<vmem_shared>>) target(%arg11 : memref<256xf32, #tpu.memory_space<vmem>>) target_semaphore(%run_scoped3A : memref<!tpu.dma_semaphore, #tpu.memory_space<semaphore_mem>>)
        tpu.wait_dma2 semaphore(%run_scoped3A : memref<!tpu.dma_semaphore, #tpu.memory_space<semaphore_mem>>) src(%arg13 : memref<256xf32, #tpu.memory_space<vmem_shared>>) dst(%arg11 : memref<256xf32, #tpu.memory_space<vmem>>)
        tpu.yield
      }) : () -> ()
      %broadcast_in_dim3A_1597 = arith.constant 0.000000e+00 : f32
      %broadcast_in_dim3A_1598 = vector.broadcast %broadcast_in_dim3A_1597 : f32 to vector<16xf32>
      %get3A_1599 = arith.constant 0 : index
      %get3A_1600 = tpu.vector_load %arg11[%get3A_1599] {strides = array<i32>} : memref<256xf32, #tpu.memory_space<vmem>>, vector<16xf32>,
      %get3A_1601 = vector.shape_cast %get3A_1600 : vector<16xf32> to vector<16xf32>
      %add3A_1602 = arith.addf %broadcast_in_dim3A_1598, %get3A_1601 : vector<16xf32>
      %get3A_1603 = arith.constant 16 : index
      %get3A_1604 = tpu.vector_load %arg11[%get3A_1603] {strides = array<i32>} : memref<256xf32, #tpu.memory_space<vmem>>, vector<16xf32>,
      %get3A_1605 = vector.shape_cast %get3A_1604 : vector<16xf32> to vector<16xf32>
      %add3A_1606 = arith.addf %add3A_1602, %get3A_1605 : vector<16xf32>
      %get3A_1607 = arith.constant 32 : index
      %get3A_1608 = tpu.vector_load %arg11[%get3A_1607] {strides = array<i32>} : memref<256xf32, #tpu.memory_space<vmem>>, vector<16xf32>,
      %get3A_1609 = vector.shape_cast %get3A_1608 : vector<16xf32> to vector<16xf32>
      %add3A_1610 = arith.addf %add3A_1606, %get3A_1609 : vector<16xf32>
      %get3A_1611 = arith.constant 48 : index
      %get3A_1612 = tpu.vector_load %arg11[%get3A_1611] {strides = array<i32>} : memref<256xf32, #tpu.memory_space<vmem>>, vector<16xf32>,
      %get3A_1613 = vector.shape_cast %get3A_1612 : vector<16xf32> to vector<16xf32>
      %add3A_1614 = arith.addf %add3A_1610, %get3A_1613 : vector<16xf32>
      %get3A_1615 = arith.constant 64 : index
      %get3A_1616 = tpu.vector_load %arg11[%get3A_1615] {strides = array<i32>} : memref<256xf32, #tpu.memory_space<vmem>>, vector<16xf32>,
      %get3A_1617 = vector.shape_cast %get3A_1616 : vector<16xf32> to vector<16xf32>
      %add3A_1618 = arith.addf %add3A_1614, %get3A_1617 : vector<16xf32>
      %get3A_1619 = arith.constant 80 : index
      %get3A_1620 = tpu.vector_load %arg11[%get3A_1619] {strides = array<i32>} : memref<256xf32, #tpu.memory_space<vmem>>, vector<16xf32>,
      %get3A_1621 = vector.shape_cast %get3A_1620 : vector<16xf32> to vector<16xf32>
      %add3A_1622 = arith.addf %add3A_1618, %get3A_1621 : vector<16xf32>
      %get3A_1623 = arith.constant 96 : index
      %get3A_1624 = tpu.vector_load %arg11[%get3A_1623] {strides = array<i32>} : memref<256xf32, #tpu.memory_space<vmem>>, vector<16xf32>,
      %get3A_1625 = vector.shape_cast %get3A_1624 : vector<16xf32> to vector<16xf32>
      %add3A_1626 = arith.addf %add3A_1622, %get3A_1625 : vector<16xf32>
      %get3A_1627 = arith.constant 112 : index
      %get3A_1628 = tpu.vector_load %arg11[%get3A_1627] {strides = array<i32>} : memref<256xf32, #tpu.memory_space<vmem>>, vector<16xf32>,
      %get3A_1629 = vector.shape_cast %get3A_1628 : vector<16xf32> to vector<16xf32>
      %add3A_1630 = arith.addf %add3A_1626, %get3A_1629 : vector<16xf32>
      %get3A_1631 = arith.constant 128 : index
      %get3A_1632 = tpu.vector_load %arg11[%get3A_1631] {strides = array<i32>} : memref<256xf32, #tpu.memory_space<vmem>>, vector<16xf32>,
      %get3A_1633 = vector.shape_cast %get3A_1632 : vector<16xf32> to vector<16xf32>
      %add3A_1634 = arith.addf %add3A_1630, %get3A_1633 : vector<16xf32>
      %get3A_1635 = arith.constant 144 : index
      %get3A_1636 = tpu.vector_load %arg11[%get3A_1635] {strides = array<i32>} : memref<256xf32, #tpu.memory_space<vmem>>, vector<16xf32>,
      %get3A_1637 = vector.shape_cast %get3A_1636 : vector<16xf32> to vector<16xf32>
      %add3A_1638 = arith.addf %add3A_1634, %get3A_1637 : vector<16xf32>
      %get3A_1639 = arith.constant 160 : index
      %get3A_1640 = tpu.vector_load %arg11[%get3A_1639] {strides = array<i32>} : memref<256xf32, #tpu.memory_space<vmem>>, vector<16xf32>,
      %get3A_1641 = vector.shape_cast %get3A_1640 : vector<16xf32> to vector<16xf32>
      %add3A_1642 = arith.addf %add3A_1638, %get3A_1641 : vector<16xf32>
      %get3A_1643 = arith.constant 176 : index
      %get3A_1644 = tpu.vector_load %arg11[%get3A_1643] {strides = array<i32>} : memref<256xf32, #tpu.memory_space<vmem>>, vector<16xf32>,
      %get3A_1645 = vector.shape_cast %get3A_1644 : vector<16xf32> to vector<16xf32>
      %add3A_1646 = arith.addf %add3A_1642, %get3A_1645 : vector<16xf32>
      %get3A_1647 = arith.constant 192 : index
      %get3A_1648 = tpu.vector_load %arg11[%get3A_1647] {strides = array<i32>} : memref<256xf32, #tpu.memory_space<vmem>>, vector<16xf32>,
      %get3A_1649 = vector.shape_cast %get3A_1648 : vector<16xf32> to vector<16xf32>
      %add3A_1650 = arith.addf %add3A_1646, %get3A_1649 : vector<16xf32>
      %get3A_1651 = arith.constant 208 : index
      %get3A_1652 = tpu.vector_load %arg11[%get3A_1651] {strides = array<i32>} : memref<256xf32, #tpu.memory_space<vmem>>, vector<16xf32>,
      %get3A_1653 = vector.shape_cast %get3A_1652 : vector<16xf32> to vector<16xf32>
      %add3A_1654 = arith.addf %add3A_1650, %get3A_1653 : vector<16xf32>
      %get3A_1655 = arith.constant 224 : index
      %get3A_1656 = tpu.vector_load %arg11[%get3A_1655] {strides = array<i32>} : memref<256xf32, #tpu.memory_space<vmem>>, vector<16xf32>,
      %get3A_1657 = vector.shape_cast %get3A_1656 : vector<16xf32> to vector<16xf32>
      %add3A_1658 = arith.addf %add3A_1654, %get3A_1657 : vector<16xf32>
      %get3A_1659 = arith.constant 240 : index
      %get3A_1660 = tpu.vector_load %arg11[%get3A_1659] {strides = array<i32>} : memref<256xf32, #tpu.memory_space<vmem>>, vector<16xf32>,
      %get3A_1661 = vector.shape_cast %get3A_1660 : vector<16xf32> to vector<16xf32>
      %add3A_1662 = arith.addf %add3A_1658, %get3A_1661 : vector<16xf32>
      %swap3A_1663 = arith.constant 0 : index
      %swap3A_1664 = tpu.vector_load %arg12[%swap3A_1663] {strides = array<i32>} : memref<16xf32, #tpu.memory_space<vmem>>, vector<16xf32>,
      %swap3A_1665 = vector.shape_cast %swap3A_1664 : vector<16xf32> to vector<16xf32>
      %swap3A_1666 = vector.shape_cast %add3A_1662 : vector<16xf32> to vector<16xf32>
      tpu.vector_store %arg12[%swap3A_1663], %swap3A_1666 {strides = array<i32>} : memref<16xf32, #tpu.memory_space<vmem>>, vector<16xf32>,
      %mul3A_1667 = arith.constant 16 : i32
      %mul3A_1668 = arith.muli %arg0, %mul3A_1667 : i32
      "tpu.region"() ({
        %run_scoped3A = tpu.sem_alloc : memref<!tpu.dma_semaphore, #tpu.memory_space<semaphore_mem>>
        %dma_start3A_1669 = tpu.memref_slice %arg6[%mul3A_1668] : memref<32xf32, #tpu.memory_space<hbm>> -> memref<16xf32, #tpu.memory_space<hbm>>
        %dma_start3A_1670 = tpu.memref_slice %arg6[%mul3A_1668] : memref<32xf32, #tpu.memory_space<hbm>> -> memref<16xf32, #tpu.memory_space<hbm>>
        tpu.enqueue_dma source(%arg12 : memref<16xf32, #tpu.memory_space<vmem>>) target(%dma_start3A_1670 : memref<16xf32, #tpu.memory_space<hbm>>) target_semaphore(%run_scoped3A : memref<!tpu.dma_semaphore, #tpu.memory_space<semaphore_mem>>)
        %dma_wait3A_1671 = tpu.memref_slice %arg6[%mul3A_1668] : memref<32xf32, #tpu.memory_space<hbm>> -> memref<16xf32, #tpu.memory_space<hbm>>
        %dma_wait3A_1672 = tpu.memref_slice %arg6[%mul3A_1668] : memref<32xf32, #tpu.memory_space<hbm>> -> memref<16xf32, #tpu.memory_space<hbm>>
        tpu.wait_dma2 semaphore(%run_scoped3A : memref<!tpu.dma_semaphore, #tpu.memory_space<semaphore_mem>>) src(%arg12 : memref<16xf32, #tpu.memory_space<vmem>>) dst(%dma_wait3A_1672 : memref<16xf32, #tpu.memory_space<hbm>>)
        tpu.yield
      }) : () -> ()
    } else {
    }
    return
  }
}

</mosaic_0001>

<sc_bundles>
// kernel: kernel.3.cloned.1.call-start
scs
__scs_entry_jumppad:
0x0: {  	(pc) =	sbr.rel $0x88, $3  }
0x1: {  	(tag) =	ssettag $0x0;
	lr =	simm.s32 $0x1  }
0x2: {  	[smem:$0x3F9D] =	sst lr;
	_ =	strace $0xD0000000  }
0x3: {  	_ = 	snop  }
0x4: {  	_ = 	snop  }
0x5: {  	_ = 	snop  }
0x6: {  	_ = 	snop  }
0x7: {  	_ = 	snop  }
__scs_overlays_trampoline_lowered:
0x8: {  	[smem:$0x3FAC] =	sst s0  }
0x9: {  	[smem:$0x3FAD] =	sst s1  }
0xa: {  	[smem:$0x3FAE] =	sst s2  }
0xb: {  	[smem:$0x3FAF] =	sst s3  }
0xc: {  	[smem:$0x3FB0] =	sst s4  }
0xd: {  	[smem:$0x3FB1] =	sst s5  }
0xe: {  	[smem:$0x3FB2] =	sst s6  }
0xf: {  	[smem:$0x3FB3] =	sst s7  }
0x10: {  	[smem:$0x3FB4] =	sst s8  }
0x11: {  	[smem:$0x3FB5] =	sst s9;
	s0 =	simm.s32 @!p0 $0x0  }
0x12: {  	s1 =	sld [smem:$0x3F9B];
	s0 =	simm.s32 @p0 $0x1  }
0x13: {  	[smem:$0x3FB6] =	sst s0;
	s0 =	simm.s32 @!p1 $0x0  }
0x14: {  	s2 =	sld [smem:$0x3F9A];
	s0 =	simm.s32 @p1 $0x1  }
0x15: {  	[smem:$0x3FB7] =	sst s0;
	s0 =	simm.s32 @!p2 $0x0  }
0x16: {  	s3 =	sld [smem:$0x3FDB];
	s0 =	simm.s32 @p2 $0x1  }
0x17: {  	s4 =	simm.s32 $0x1BF5;
	[smem:$0x3FB9] =	sst s0  }
0x18: {  	s0 =	sld [smem:$0x3F9C];
	_ =	swait.ge [sflag:s4], $0x0  }
0x19: {  	s7 =	sld [smem:$0x3F9D]  }
0x1a: {  	s8 =	sadd.s32 $0xFFFFE003, lr  }
0x1b: {  	s9 =	sadd.s32 $0xFFFFFEF7, lr;
	s5 =	simm.s32 $0xFFFFFFFF;
	p2 =	slt.u32 s8, $0xFFFFF086  }
0x1c: {  	p1 =	slt.u32 s9, $0xF7A;
	s5 =	simm.s32 @!p2 $0x0  }
0x1d: {  	s5 =	simm.s32 @p1 $0x1;
	p0 =	seq.s32 s7, s2  }
0x1e: {  	s7 =	smul.u32 @!p0 $0xF7A, s2;
	p2 =	seq.s32 @!p0 s5, $0x0  }
0x1f: {  	s9 =	smul.u32 $0xF7A, s1;
	s8 =	simm.s32 @!p0 $0x1BF5;
	p2 =	por !p2, p0  }
0x20: {  	[sflag:s8] =	ssyncset.s32 @!p0 $0xFFFFF086;
	s6 =	sadd.s32 @!p0 s3, s7;
	s7 =	simm.s32 @!p0 $0x108  }
0x21: {  	s3 =	sadd.s32 s3, s9;
	s6 =	sadd.s32 @!p0 $0x88, s6;
	s7 =	simm.s32 @p2 $0x1082  }
0x22: {  	[simem:s7], [sflag:s8] =	dma.local @!p0 [hbm:s6], $0xF7A  }
0x23: {  	s9 =	sor.u32 $0xD0000000, s2;
	s6 =	simm.s32 $0x108;
	_ =	swait.ge @!p0 [sflag:s8], $0x0  }
0x24: {  	s3 =	sadd.s32 $0x88, s3;
	s6 =	simm.s32 @!p1 $0x1082;
	[sflag:s4] =	ssyncset.s32 $0xFFFFF086  }
0x25: {  	[simem:s6], [sflag:s4] =	dma.local [hbm:s3], $0xF7A  }
0x26: {  	[smem:$0x3F9D] =	sst s1;
	(tag) =	ssettag s2;
	_ =	strace s9  }
0x27: {  	s1 =	sld [smem:$0x3FAD]  }
0x28: {  	s2 =	sld [smem:$0x3FAE]  }
0x29: {  	s4 =	sld [smem:$0x3FB0]  }
0x2a: {  	p0 =	seq.s32 s5, $0x0;
	s5 =	sld [smem:$0x3FB1]  }
0x2b: {  	s6 =	sld [smem:$0x3FB2]  }
0x2c: {  	s7 =	sld [smem:$0x3FB3]  }
0x2d: {  	s3 =	simm.s32 $0x108;
	s8 =	sld [smem:$0x3FB4]  }
0x2e: {  	s3 =	simm.s32 @!p0 $0x1082;
	s9 =	sld [smem:$0x3FB5]  }
0x2f: {  	lr =	sadd.s32 s0, s3;
	s0 =	sld [smem:$0x3FAC]  }
0x30: {  	s3 =	sld [smem:$0x3FAF]  }
0x31: {  	[smem:$0x3FB8] =	sst s10  }
0x32: {  	s10 =	sld [smem:$0x3FB6];
	_ =	sdelay $0x3  }
0x33: {  	p0 =	seq.s32 s10, $0x1;
	s10 =	sld [smem:$0x3FB8];
	_ =	sdelay $0x3  }
0x34: {  	[smem:$0x3FB8] =	sst s10  }
0x35: {  	s10 =	sld [smem:$0x3FB7];
	_ =	sdelay $0x3  }
0x36: {  	p1 =	seq.s32 s10, $0x1;
	s10 =	sld [smem:$0x3FB8];
	_ =	sdelay $0x3  }
0x37: {  	[smem:$0x3FB8] =	sst s10  }
0x38: {  	s10 =	sld [smem:$0x3FB9]  }
0x39: {  	_ = 	snop;
	(pc) =	sbr.ind lr, $3  }
0x3a: {  	_ = 	snop  }
0x3b: {  	_ = 	snop  }
0x3c: {  	p2 =	seq.s32 s10, $0x1;
	s10 =	sld [smem:$0x3FB8]  }
0x3d: {  	_ =	shalt  }
0x3e: {  	_ =	shalt  }
0x3f: {  	_ =	shalt  }
0x40: {  	_ =	shalt  }
0x41: {  	_ =	shalt  }
0x42: {  	_ =	shalt  }
0x43: {  	_ =	shalt  }
0x44: {  	_ =	shalt  }
0x45: {  	_ =	shalt  }
0x46: {  	_ =	shalt  }
0x47: {  	_ =	shalt  }
0x48: {  	_ =	shalt  }
0x49: {  	_ =	shalt  }
0x4a: {  	_ =	shalt  }
0x4b: {  	_ =	shalt  }
0x4c: {  	_ =	shalt  }
0x4d: {  	_ =	shalt  }
0x4e: {  	_ =	shalt  }
0x4f: {  	_ =	shalt  }
0x50: {  	_ =	shalt  }
0x51: {  	_ =	shalt  }
0x52: {  	_ =	shalt  }
0x53: {  	_ =	shalt  }
0x54: {  	_ =	shalt  }
0x55: {  	_ =	shalt  }
0x56: {  	_ =	shalt  }
0x57: {  	_ =	shalt  }
0x58: {  	_ =	shalt  }
0x59: {  	_ =	shalt  }
0x5a: {  	_ =	shalt  }
0x5b: {  	_ =	shalt  }
0x5c: {  	_ =	shalt  }
0x5d: {  	_ =	shalt  }
0x5e: {  	_ =	shalt  }
0x5f: {  	_ =	shalt  }
0x60: {  	_ =	shalt  }
0x61: {  	_ =	shalt  }
0x62: {  	_ =	shalt  }
0x63: {  	_ =	shalt  }
0x64: {  	_ =	shalt  }
0x65: {  	_ =	shalt  }
0x66: {  	_ =	shalt  }
0x67: {  	_ =	shalt  }
0x68: {  	_ =	shalt  }
0x69: {  	_ =	shalt  }
0x6a: {  	_ =	shalt  }
0x6b: {  	_ =	shalt  }
0x6c: {  	_ =	shalt  }
0x6d: {  	_ =	shalt  }
0x6e: {  	_ =	shalt  }
0x6f: {  	_ =	shalt  }
0x70: {  	_ =	shalt  }
0x71: {  	_ =	shalt  }
0x72: {  	_ =	shalt  }
0x73: {  	_ =	shalt  }
0x74: {  	_ =	shalt  }
0x75: {  	_ =	shalt  }
0x76: {  	_ =	shalt  }
0x77: {  	_ =	shalt  }
0x78: {  	_ =	shalt  }
0x79: {  	_ =	shalt  }
0x7a: {  	_ =	shalt  }
0x7b: {  	_ =	shalt  }
0x7c: {  	_ =	shalt  }
0x7d: {  	_ =	shalt  }
0x7e: {  	_ =	shalt  }
0x7f: {  	_ =	shalt  }
0x80: {  	_ =	shalt  }
0x81: {  	_ =	shalt  }
0x82: {  	_ =	shalt  }
0x83: {  	_ =	shalt  }
0x84: {  	_ =	shalt  }
0x85: {  	_ =	shalt  }
0x86: {  	_ =	shalt  }
0x87: {  	_ =	shalt  }
.Lfunc_end0:
.L_simem_size_0:
called_computation_lowered:
.L_overlay_start_0:
0x88: {  	s2 =	sld [smem:$0x3FD9]  }
0x89: {  	s3 =	sld [smem:$0x3FFE];
	_ =	sdelay $0x1  }
0x8a: {  	s1 =	srdreg.scid  }
0x8b: {  	s0 =	sand.u32 $0x1, s1  }
0x8c: {  	s17 =	sshll.u32 s0, $0xA;
	s2 =	sadd.s32 s3, s2  }
0x8d: {  	s2 =	sadd.s32 s2, s17  }
0x8e: {  	[smem:$0x3FC4] =	sst s2  }
0x8f: {  	_ = 	snop  }
0x90: {  	s2 =	sld [smem:$0x3FC9]  }
0x91: {  	s18 =	sld [smem:$0x3FC8]  }
0x92: {  	s4 =	sld [smem:$0x3FC7]  }
0x93: {  	s5 =	sld [smem:$0x3FC6];
	(tm) =	ssettm $0x1  }
0x94: {  	s6 =	sld [smem:$0x3FFB];
	_ =	sdelay $0x3  }
0x95: {  	_ =	strace s6  }
0x96: {  	s6 =	sld [smem:$0x3FFC];
	_ =	sdelay $0x3  }
0x97: {  	_ =	strace s6  }
0x98: {  	s6 =	sld [smem:$0x3FFD];
	_ =	sdelay $0x3  }
0x99: {  	_ =	strace s6  }
0x9a: {  	_ =	strace $0x8FFFFFFF  }
0x9b: {  	s19 =	sld [smem:$0x3FDB];
	_ =	sdelay $0x1  }
0x9c: {  	s7 =	simm.s32 $_scs_section_size  }
0x9d: {  	s8 =	simm.s32 $_size__tile_overlayer_lowered;
	s9 =	simm.s32 $_tile_overlayer_lowered  }
0x9e: {  	s22 =	simm.s32 $0x1BFF;
	s21 =	sshll.u32 s9, $0x1;
	s6 =	sadd.s32 s7, s19  }
0x9f: {  	s10 =	simm.s32 $0x0;
	s20 =	sshll.u32 s8, $0x1;
	s8 =	sadd.s32 s21, s6  }
0xa0: {  	[timem:s10], [sflag:s22] =	dma.local [hbm:s8], s20  }
0xa1: {  	_ =	swait.ge [sflag:s22], s20  }
0xa2: {  	s7 =	ssub.s32 $0x0, s20;
	[sflag:s22] =	ssyncset.done $0x0  }
0xa3: {  	[sflag:s22] =	ssyncadd.s32 s7;
	_ =	sdelay $0x1  }
0xa4: {  	s23 =	simm.s32 $0x1B8B  }
0xa5: {  	_ =	swait.ge [sflag:s23], $0x1  }
0xa6: {  	[sflag:s23] =	ssyncset.done $0x0  }
0xa7: {  	s25 =	simm.s32 $0x1B8E;
	s24 =	sld [smem:$0x3FFE];
	[sflag:s23] =	ssyncadd.s32 $0xFFFFFFFF  }
0xa8: {  	s26 =	simm.s32 $execute0_lowered;
	[smem:$0x3FD2] =	sst s25  }
0xa9: {  	s8 =	sshll.u32 s26, $0x1;
	_ =	strace $0x80000046;
	[dreg:$0x1] =	wrdreg $0xFFFFFFFF  }
0xaa: {  	s28 =	simm.s32 $_size_execute0_lowered;
	s6 =	sadd.s32 s6, s8;
	[dreg:$0x0] =	wrdreg $0x0  }
0xab: {  	s8 =	sshll.u32 s28, $0x1;
	[dreg:$0x2] =	wrdreg s6  }
0xac: {  	[dreg:$0x3] =	wrdreg s8  }
0xad: {  	[dreg:$0x4] =	wrdreg $0xC0  }
0xae: {  	_ =	task [dreg:s10], $0x5FFFF  }
0xaf: {  	[dreg:$0x1] =	wrdreg $0xFFFFFFFF  }
0xb0: {  	[dreg:$0x0] =	wrdreg $0x60  }
0xb1: {  	[dreg:$0x2] =	wrdreg s2  }
0xb2: {  	[dreg:$0x3] =	wrdreg s18  }
0xb3: {  	[dreg:$0x4] =	wrdreg s4  }
0xb4: {  	[dreg:$0x5] =	wrdreg s5  }
0xb5: {  	[dreg:$0x6] =	wrdreg s24  }
0xb6: {  	[dreg:$0x7] =	wrdreg $0xA800  }
0xb7: {  	[dreg:$0x8] =	wrdreg $0x9  }
0xb8: {  	_ =	task.clear_ibuf [dreg:s10], $0x9FFFF;
	_ =	strace $0x90000046  }
0xb9: {  	s29 =	simm.s32 $0x9;
	_ =	strace $0x80000048  }
0xba: {  	_ =	swait.ge [sflag:s29], $0x1  }
0xbb: {  	[sflag:s29] =	ssyncadd.s32 $0xFFFFFFFF  }
0xbc: {  	_ =	strace $0x90000048  }
0xbd: {  	_ =	sfence  }
0xbe: {  	s30 =	sld [smem:$0x0];
	_ =	sdelay $0x2  }
0xbf: {  	s31 =	sshll.u32 s1, $0xD;
	s1 =	sshrl.u32 s1, $0x2  }
0xc0: {  	s3 =	sand.u32 $0x4000, s31;
	s1 =	sadd.s32 s1, s30  }
0xc1: {  	s0 =	sor.u32 s3, s0;
	s1 =	sshll.u32 s1, $0x11  }
0xc2: {  	s0 =	sor.u32 s1, s0  }
0xc3: {  	s0 =	sadd.s32 $0x8F2B, s0  }
0xc4: {  	[sflag:s0] =	ssyncadd.remote.s32 $0x1  }
0xc5: {  	_ =	sfence.sel $0xFFFF  }
0xc6: {  	[dreg:$0x0] =	wrdreg $0xFFFFFFFF;
	(pc) =	sbr.abs _section_cstart, $3  }
0xc7: {  	[dreg:$0x1] =	wrdreg $0xFFFFFFFF  }
0xc8: {  	_ =	task.clear_ibuf [dreg:s10], $0x2FFFF;
	_ =	strace $0x9FFFFFFF  }
0xc9: {  	(tm) =	ssettm $0x7FFFFFFF  }
tec
execute0_lowered:
.L_overlay_start_1:
0x0: {  	(tag) =	ssettag $0x1  }
0x1: {  	s0 =	rddreg [dreg:$0x0]  }
0x2: {  	s5 =	rddreg [dreg:$0x1]  }
0x3: {  	s6 =	rddreg [dreg:$0x2]  }
0x4: {  	s1 =	rddreg [dreg:$0x3]  }
0x5: {  	s10 =	rddreg [dreg:$0x4]  }
0x6: {  	s2 =	srdreg.scid;
	[dreg:$0x7] =	wrdreg s1  }
0x7: {  	s21 =	stileid.u32;
	s7 =	sand.u32 $0x1, s2;
	s2 =	rddreg [dreg:$0x5]  }
0x8: {  	s3 =	simm.s32 $0x0;
	s1 =	rddreg [dreg:$0x6];
	s9 =	sshrl.u32 s21, $0x1  }
0x9: {  	s28 =	sshll.u32 s21, $0x1;
	[smem:$0x7FF] =	sst s3;
	s15 =	smin.u32 s9, $0x6  }
0xa: {  	s4 =	sor.u32 s7, s28;
	_ =	strace $0x80000047;
	s16 =	sshll.u32 s15, $0x7  }
0xb: {  	s8 =	scvt.s32.f32 s4;
	s17 =	sshll.u32 s15, $0x3;
	s5 =	sadd.s32 s5, s16  }
0xc: {  	s18 =	sor.u32 $0x1, s17;
	s19 =	sor.u32 $0x2, s17;
	s22 =	sor.u32 $0x3, s17  }
0xd: {  	s23 =	sor.u32 $0x4, s17;
	s24 =	sor.u32 $0x5, s17;
	s25 =	scvt.s32.f32 s17  }
0xe: {  	s17 =	sor.u32 $0x6, s17;
	s6 =	sadd.s32 s6, s16;
	s8 =	ssub.f32 $2.800000000e+01, s8  }
0xf: {  	s9 =	smul.u32 $0x2710, s18;
	s11 =	smin.u32 s19, $0x31;
	[dreg:$0x8] =	wrdreg s5  }
0x10: {  	s12 =	smin.u32 s22, $0x31;
	s18 =	scvt.s32.f32 s18;
	s19 =	scvt.s32.f32 s19  }
0x11: {  	s13 =	smin.u32 s23, $0x31;
	[dreg:$0x9] =	wrdreg s6;
	s11 =	smul.u32 $0x2710, s11  }
0x12: {  	s14 =	smin.u32 s24, $0x31;
	s23 =	scvt.s32.f32 s23;
	s12 =	smul.u32 $0x2710, s12  }
0x13: {  	s29 =	smin.u32 s17, $0x31;
	s17 =	scvt.s32.f32 s17;
	s13 =	smul.u32 $0x2710, s13  }
0x14: {  	s14 =	smul.u32 $0x2710, s14;
	s25 =	ssub.f32 $5.000000000e+01, s25  }
0x15: {  	s26 =	smul.u32 $0x2710, s29;
	s18 =	ssub.f32 $5.000000000e+01, s18  }
0x16: {  	s8 =	smax.f32 s8, $0.0e+00;
	s29 =	ssub.f32 $5.000000000e+01, s19  }
0x17: {  	s20 =	smin.f32 s8, $1.000000000e+00;
	s8 =	smul.u32 $0x13880, s15  }
0x18: {  	s15 =	sshllo.u32 s15, $0x3;
	s30 =	smax.f32 s25, $0.0e+00  }
0x19: {  	s31 =	smin.u32 s15, $0x31;
	s5 =	smin.f32 s30, $1.000000000e+00;
	s18 =	smax.f32 s18, $0.0e+00  }
0x1a: {  	s30 =	scvt.s32.f32 s22;
	s25 =	smul.u32 $0x2710, s31  }
0x1b: {  	p0 =	sne.s32 s21, $0x0;
	s16 =	smul.f32 s5, s20;
	s28 =	smin.f32 s18, $1.000000000e+00  }
0x1c: {  	s31 =	sshll.u32 s7, $0x1;
	s7 =	ssub.s32 $0x2, s7;
	s18 =	smax.f32 s29, $0.0e+00  }
0x1d: {  	s10 =	sadd.s32 s31, s10;
	s28 =	smul.f32 s28, s20;
	s19 =	ssub.f32 $5.000000000e+01, s30  }
0x1e: {  	s22 =	sshrl.u32 s7, $0x1;
	s6 =	smin.f32 s18, $1.000000000e+00;
	s30 =	ssub.f32 $5.000000000e+01, s23  }
0x1f: {  	s31 =	sshll.u32 s21, $0x4;
	s21 =	simm.s32 $0x2;
	s22 =	ssub.s32 s7, s22  }
0x20: {  	s18 =	smul.f32 s6, s20;
	s29 =	smax.f32 s19, $0.0e+00;
	s19 =	sshll.u32 s4, $0x5  }
0x21: {  	s7 =	smax.f32 s30, $0.0e+00;
	s30 =	sadd.s32 $0x600, s10;
	v9 =	vmov s28;
	s28 =	ssub.f32 $5.000000000e+01, s17  }
0x22: {  	s5 =	smin.f32 s29, $1.000000000e+00;
	[dreg:$0xb] =	wrdreg s30;
	s29 =	simm.s32 $0x400  }
0x23: {  	s4 =	sand.u32 $0x60, s19;
	s30 =	smin.f32 s7, $1.000000000e+00;
	v10 =	vmov s18;
	s18 =	sor.u32 $0x380, s19  }
0x24: {  	s23 =	smul.f32 s5, s20;
	s5 =	sadd.s32 s31, s2;
	s31 =	scvt.s32.f32 s24  }
0x25: {  	s19 =	sor.u32 $0x390, s19;
	[dreg:$0xc] =	wrdreg s29;
	s24 =	smul.f32 s30, s20  }
0x26: {  	v0 =	vmov s8;
	s6 =	sor.u32 $0x80, s4;
	s7 =	sor.u32 $0x90, s4;
	s8 =	sor.u32 $0x100, s4  }
0x27: {  	v1 =	vmov s9;
	v2 =	vmov s11;
	s9 =	sor.u32 $0x110, s4;
	s10 =	sor.u32 $0x180, s4;
	s11 =	sor.u32 $0x190, s4  }
0x28: {  	v11 =	vimm.f32 $1.280000000e+02;
	v3 =	vmov s12;
	v4 =	vmov s13;
	s12 =	sor.u32 $0x200, s4;
	s13 =	sor.u32 $0x210, s4;
	[dreg:$0xa] =	wrdreg s5  }
0x29: {  	v12 =	vimm.f32 $1.270000000e+02;
	v16 =	vimm.s32 $0xFEDCBA98;
	s29 =	ssub.f32 $5.000000000e+01, s31;
	s31 =	scvt.s32.f32 s15;
	v13 =	vmov s24;
	s24 =	simm.s32 $0xC10  }
0x2a: {  	v17 =	vimm.s32 $0x76543210;
	v5 =	vmov s14;
	v8 =	vmov s16;
	s14 =	sor.u32 $0x280, s4;
	s16 =	sor.u32 $0x300, s4;
	[dreg:$0x11] =	wrdreg s24  }
0x2b: {  	v18 =	vimm.s32 $0xBA98FEDC;
	v20 =	vimm.s32 $0xDCFE98BA;
	v7 =	vmov s25;
	s29 =	smax.f32 s29, $0.0e+00;
	s25 =	ssub.f32 $5.000000000e+01, s31;
	s31 =	simm.s32 $0x800  }
0x2c: {  	v15 =	vlaneseq.u32;
	v21 =	vimm.s32 $0x54761032;
	v22 =	vimm.s32 $0xEFCDAB89;
	s30 =	smin.f32 s29, $1.000000000e+00;
	[dreg:$0xd] =	wrdreg s31;
	s29 =	simm.s32 $0xA90  }
0x2d: {  	v23 =	vimm.s32 $0x67452301;
	vm0 =	vmmov $0xffff;
	vm1 =	vcmask $0x3F08;
	s17 =	sor.u32 $0x310, s4;
	s31 =	simm.s32 $0xB90;
	[dreg:$0xe] =	wrdreg s29  }
0x2e: {  	v16 =	vunpack.c.l.s4.s8 v16;
	v20 =	vunpack.c.l.s4.s8 v20;
	v6 =	vmov s26;
	s26 =	smul.f32 s30, s20;
	s30 =	simm.s32 $0xB10;
	[dreg:$0x10] =	wrdreg s31  }
0x2f: {  	v21 =	vunpack.c.l.s4.s8 v21;
	v22 =	vunpack.c.l.s4.s8 v22;
	(erf) = vrcp.f32 v11;
	s5 =	sor.u32 $0x10, s4;
	s29 =	simm.s32 $0xD10;
	[dreg:$0xf] =	wrdreg s30  }
0x30: {  	v23 =	vunpack.c.l.s4.s8 v23;
	v19 =	vunpack.c.0.s8.s32 v16;
	(erf) = vrcp.f32 v12;
	s15 =	sor.u32 $0x290, s4;
	s31 =	simm.s32 $0xE10;
	[dreg:$0x13] =	wrdreg s29  }
0x31: {  	v16 =	vunpack.c.l.s4.s8 v18;
	v18 =	vimm.s32 $0x32107654;
	v11 =	vmov s23;
	s23 =	simm.s32 $0x1190;
	s30 =	simm.s32 $0xD90;
	[dreg:$0x15] =	wrdreg s31  }
0x32: {  	v17 =	vunpack.c.l.s4.s8 v17;
	v20 =	vunpack.c.0.s8.s32 v20;
	v18 =	vunpack.c.l.s4.s8 v18;
	s25 =	smax.f32 s25, $0.0e+00;
	s29 =	simm.s32 $0xF90;
	[dreg:$0x14] =	wrdreg s30  }
0x33: {  	v21 =	vunpack.c.0.s8.s32 v21;
	v22 =	vunpack.c.0.s8.s32 v22;
	v23 =	vunpack.c.0.s8.s32 v23;
	s25 =	smin.f32 s25, $1.000000000e+00;
	s31 =	simm.s32 $0x1090;
	[dreg:$0x18] =	wrdreg s29  }
0x34: {  	v24 =	vunpack.c.0.s8.s32 v16;
	v18 =	vunpack.c.0.s8.s32 v18;
	v14 =	vmov s26;
	s26 =	smax.f32 s28, $0.0e+00;
	s28 =	simm.s32 $0xC90;
	[dreg:$0x1a] =	wrdreg s31  }
0x35: {  	v25 =	vunpack.c.0.s8.s32 v17;
	v21 =	vcombine.low v21, v20;
	v22 =	vcombine.low v23, v22;
	s25 =	smul.f32 s25, s20;
	s30 =	simm.s32 $0x1010;
	[dreg:$0x12] =	wrdreg s28  }
0x36: {  	vm2 =	vmmov $0x1;
	v24 =	vcombine.low v18, v24;
	v18 =	vand.u32 $0xF, v19;
	s24 =	smin.f32 s26, $1.000000000e+00;
	s26 =	simm.s32 $0xE90;
	[dreg:$0x19] =	wrdreg s30  }
0x37: {  	v21 =	vand.u32 $0xF, v21;
	v22 =	vand.u32 $0xF, v22;
	v18 =	vcombine.low v18, v25;
	s28 =	simm.s32 $0xF10;
	s24 =	smul.f32 s24, s20;
	[dreg:$0x16] =	wrdreg s26  }
0x38: {  	v19 =	vand.u32 $0xF, v24;
	v24 =	vimm.f32 $0.0e+00;
	v20 =	vpop (erf);
	v12 =	vor.u32 s4, v15;
	s20 =	smax.u32 s22, $0x1;
	[dreg:$0x17] =	wrdreg s28;
	s22 =	simm.s32 $0x1110  }
0x39: {  	v23 =	vpop (erf);
	v15 =	vor.u32 s5, v15;
	v17 =	vmov s25;
	s25 =	simm.s32 $0x1;
	s26 =	simm.s32 $0x880;
	v16 =	vmov s24;
	s24 =	simm.s32 $0x1210  }
.LBB2_1:
0x3a: {  	s28 =	rddreg [dreg:$0x8]  }
0x3b: {  	[tilespmem:s3], [sflag:$0x2] =	stream.linear.gather [hbm4b:s28+s3], $0x400, $0x38;
	[tilespmem:$0x1290] =	vst v63  }
0x3c: {  	_ =	swait.ge [sflag:s21], $0x400  }
0x3d: {  	s31 =	rddreg [dreg:$0x9];
	[sflag:s21] =	ssyncset.done $0x0  }
0x3e: {  	s29 =	rddreg [dreg:$0xc];
	[sflag:s21] =	ssyncadd.s32 $0xFFFFFC00  }
0x3f: {  	[tilespmem:s29], [sflag:$0x2] =	stream.linear.gather [hbm4b:s31+s3], $0x400, $0x38;
	[tilespmem:$0x1290] =	vst v63  }
0x40: {  	_ =	swait.ge [sflag:s21], $0x400  }
0x41: {  	s30 =	rddreg [dreg:$0x7];
	[sflag:s21] =	ssyncset.done $0x0  }
0x42: {  	s31 =	rddreg [dreg:$0xd];
	[sflag:s21] =	ssyncadd.s32 $0xFFFFFC00  }
0x43: {  	[tilespmem:s31], [sflag:$0x2] =	stream.linear.gather [hbm4b:s30+s3], $0x80, $0x38;
	[tilespmem:$0x1290] =	vst v63  }
0x44: {  	_ =	swait.ge [sflag:s21], $0x80  }
0x45: {  	[sflag:s21] =	ssyncset.done $0x0  }
0x46: {  	[sflag:s21] =	ssyncadd.s32 $0xFFFFFF80  }
0x47: {  	v25 =	vld [tilespmem:$0x800];
	_ =	sdelay $0x1  }
0x48: {  	v26 =	vld [tilespmem:$0x810];
	_ =	sdelay $0x1  }
0x49: {  	v27 =	vld [tilespmem:$0x820]  }
0x4a: {  	v28 =	vadd.f32 $0.0e+00, v25  }
0x4b: {  	v29 =	vld [tilespmem:$0x830]  }
0x4c: {  	v28 =	vadd.f32 v26, v28  }
0x4d: {  	v30 =	vld [tilespmem:$0x840]  }
0x4e: {  	v28 =	vadd.f32 v27, v28  }
0x4f: {  	v31 =	vld [tilespmem:$0x850]  }
0x50: {  	v28 =	vadd.f32 v29, v28  }
0x51: {  	v32 =	vld [tilespmem:$0x860]  }
0x52: {  	v28 =	vadd.f32 v30, v28  }
0x53: {  	v33 =	vld [tilespmem:$0x870]  }
0x54: {  	v28 =	vadd.f32 v31, v28;
	_ =	sdelay $0x1  }
0x55: {  	v28 =	vadd.f32 v32, v28;
	_ =	sdelay $0x1  }
0x56: {  	v28 =	vadd.f32 v33, v28;
	_ =	sdelay $0x1  }
0x57: {  	v34 =	vperm.xlane v28, v18;
	_ =	sdelay $0x1  }
0x58: {  	v28 =	vadd.f32 v34, v28;
	_ =	sdelay $0x1  }
0x59: {  	v34 =	vperm.xlane v28, v19;
	_ =	sdelay $0x1  }
0x5a: {  	v28 =	vadd.f32 v34, v28;
	_ =	sdelay $0x1  }
0x5b: {  	v34 =	vperm.xlane v28, v21;
	_ =	sdelay $0x1  }
0x5c: {  	v28 =	vadd.f32 v34, v28;
	_ =	sdelay $0x1  }
0x5d: {  	v34 =	vperm.xlane v28, v22;
	_ =	sdelay $0x1  }
0x5e: {  	v28 =	vadd.f32 v34, v28;
	_ =	sdelay $0x1  }
0x5f: {  	v28 =	vmul.f32 v28, v20;
	_ =	sdelay $0x1  }
0x60: {  	v25 =	vsub.f32 v25, v28;
	v26 =	vsub.f32 v26, v28;
	_ =	sdelay $0x1  }
0x61: {  	v27 =	vsub.f32 v27, v28;
	v40 =	vmul.f32 v25, v25;
	v35 =	vmul.f32 v26, v26;
	_ =	sdelay $0x1  }
0x62: {  	v29 =	vsub.f32 v29, v28;
	v41 =	vmul.f32 v27, v27;
	v34 =	vadd.f32 v35, v40;
	_ =	sdelay $0x1  }
0x63: {  	v30 =	vsub.f32 v30, v28;
	v42 =	vmul.f32 v29, v29;
	v34 =	vadd.f32 v34, v41;
	_ =	sdelay $0x1  }
0x64: {  	v31 =	vsub.f32 v31, v28;
	v43 =	vmul.f32 v30, v30;
	v34 =	vadd.f32 v34, v42;
	_ =	sdelay $0x1  }
0x65: {  	v32 =	vsub.f32 v32, v28;
	v44 =	vmul.f32 v31, v31;
	v34 =	vadd.f32 v34, v43;
	_ =	sdelay $0x1  }
0x66: {  	v28 =	vsub.f32 v33, v28;
	v45 =	vmul.f32 v32, v32;
	v34 =	vadd.f32 v34, v44;
	_ =	sdelay $0x1  }
0x67: {  	v47 =	vmul.f32 v28, v28;
	v46 =	vadd.f32 v34, v45;
	_ =	sdelay $0x1  }
0x68: {  	v33 =	vadd.f32 v46, v47;
	_ =	sdelay $0x1  }
0x69: {  	v34 =	vperm.xlane v33, v18;
	_ =	sdelay $0x1  }
0x6a: {  	v33 =	vadd.f32 v33, v34;
	_ =	sdelay $0x1  }
0x6b: {  	v34 =	vperm.xlane v33, v19;
	_ =	sdelay $0x1  }
0x6c: {  	v33 =	vadd.f32 v33, v34;
	_ =	sdelay $0x1  }
0x6d: {  	v34 =	vperm.xlane v33, v21;
	_ =	sdelay $0x1  }
0x6e: {  	v33 =	vadd.f32 v33, v34;
	_ =	sdelay $0x1  }
0x6f: {  	v34 =	vperm.xlane v33, v22;
	_ =	sdelay $0x1  }
0x70: {  	v33 =	vadd.f32 v33, v34;
	_ =	sdelay $0x1  }
0x71: {  	v33 =	vmul.f32 v33, v23;
	_ =	sdelay $0x1  }
0x72: {  	v48 =	vshrl.u32 v33, $0x1;
	v33 =	vmul.f32 $5.000000000e-01, v33  }
0x73: {  	v34 =	vsub.s32 $0x5F3759DF, v48  }
0x74: {  	v49 =	vmul.f32 v34, v33;
	_ =	sdelay $0x1  }
0x75: {  	v35 =	vmul.f32 v34, v49;
	_ =	sdelay $0x1  }
0x76: {  	v35 =	vsub.f32 $1.500000000e+00, v35;
	_ =	sdelay $0x1  }
0x77: {  	v34 =	vmul.f32 v34, v35;
	_ =	sdelay $0x1  }
0x78: {  	v35 =	vmul.f32 v34, v33;
	_ =	sdelay $0x1  }
0x79: {  	v35 =	vmul.f32 v35, v34;
	_ =	sdelay $0x1  }
0x7a: {  	v35 =	vsub.f32 $1.500000000e+00, v35;
	_ =	sdelay $0x1  }
0x7b: {  	v34 =	vmul.f32 v35, v34;
	_ =	sdelay $0x1  }
0x7c: {  	v35 =	vmul.f32 v34, v33;
	_ =	sdelay $0x1  }
0x7d: {  	v35 =	vmul.f32 v35, v34;
	_ =	sdelay $0x1  }
0x7e: {  	v35 =	vsub.f32 $1.500000000e+00, v35;
	_ =	sdelay $0x1  }
0x7f: {  	v34 =	vmul.f32 v35, v34;
	_ =	sdelay $0x1  }
0x80: {  	v33 =	vmul.f32 v34, v33;
	_ =	sdelay $0x1  }
0x81: {  	v33 =	vmul.f32 v33, v34;
	_ =	sdelay $0x1  }
0x82: {  	v33 =	vsub.f32 $1.500000000e+00, v33;
	_ =	sdelay $0x1  }
0x83: {  	v33 =	vmul.f32 v33, v34;
	_ =	sdelay $0x1  }
0x84: {  	v33 =	vmin.f32 v33, $1.000000000e+08  }
0x85: {  	v25 =	vmul.f32 v33, v25  }
0x86: {  	v26 =	vmul.f32 v33, v26  }
0x87: {  	[tilespmem:$0x800] =	vst v25;
	v25 =	vmul.f32 v33, v27  }
0x88: {  	[tilespmem:$0x810] =	vst v26;
	v26 =	vmul.f32 v33, v29  }
0x89: {  	[tilespmem:$0x820] =	vst v25;
	v25 =	vmul.f32 v33, v30  }
0x8a: {  	[tilespmem:$0x830] =	vst v26;
	v26 =	vmul.f32 v33, v31  }
0x8b: {  	[tilespmem:$0x840] =	vst v25;
	v25 =	vmul.f32 v33, v32  }
0x8c: {  	[tilespmem:$0x850] =	vst v26;
	v26 =	vmul.f32 v33, v28  }
0x8d: {  	[tilespmem:$0x860] =	vst v25  }
0x8e: {  	[tilespmem:$0x870] =	vst v26  }
0x8f: {  	v25 =	vld [tilespmem:s4+$0x0];
	_ =	sdelay $0x4  }
0x90: {  	vm3 =	vgt.s32 v25, $0x0  }
0x91: {  	v25 =	vnsel vm3, $0x0, v25  }
0x92: {  	v25 =	vmin.u32 v25, $0x270F  }
0x93: {  	v25 =	vadd.s32 v0, v25  }
0x94: {  	v25 =	vshll.u32 v25, $0x7  }
0x95: {  	v25 =	vor.u32 v12, v25;
	_ =	sdelay $0x3  }
0x96: {  	s30 =	rddreg [dreg:$0xe]  }
0x97: {  	[tilespmem:s30], [sflag:$0x1] =	stream.indirect_vreg.gather [hbm4b:s0+s3], $0x1, v25, vm0, $0xb8;
	[tilespmem:$0x1290] =	vst v63  }
0x98: {  	v25 =	vld [tilespmem:s5+$0x0];
	_ =	sdelay $0x4  }
0x99: {  	vm3 =	vgt.s32 v25, $0x0  }
0x9a: {  	v25 =	vnsel vm3, $0x0, v25  }
0x9b: {  	v25 =	vmin.u32 v25, $0x270F  }
0x9c: {  	v25 =	vadd.s32 v0, v25  }
0x9d: {  	v25 =	vshll.u32 v25, $0x7  }
0x9e: {  	v25 =	vor.u32 v15, v25;
	_ =	sdelay $0x3  }
0x9f: {  	s31 =	rddreg [dreg:$0xf]  }
0xa0: {  	[tilespmem:s31], [sflag:$0x1] =	stream.indirect_vreg.gather [hbm4b:s0+s3], $0x1, v25, vm0, $0xb8;
	[tilespmem:$0x1290] =	vst v63  }
0xa1: {  	v25 =	vld [tilespmem:s6+$0x0];
	_ =	sdelay $0x4  }
0xa2: {  	vm3 =	vgt.s32 v25, $0x0  }
0xa3: {  	v25 =	vnsel vm3, $0x0, v25  }
0xa4: {  	v25 =	vmin.u32 v25, $0x270F  }
0xa5: {  	v25 =	vadd.s32 v1, v25  }
0xa6: {  	v25 =	vshll.u32 v25, $0x7  }
0xa7: {  	v25 =	vor.u32 v12, v25;
	_ =	sdelay $0x3  }
0xa8: {  	s29 =	rddreg [dreg:$0x10]  }
0xa9: {  	[tilespmem:s29], [sflag:$0x1] =	stream.indirect_vreg.gather [hbm4b:s0+s3], $0x1, v25, vm0, $0xb8;
	[tilespmem:$0x1290] =	vst v63  }
0xaa: {  	v25 =	vld [tilespmem:s7+$0x0];
	_ =	sdelay $0x4  }
0xab: {  	vm3 =	vgt.s32 v25, $0x0  }
0xac: {  	v25 =	vnsel vm3, $0x0, v25  }
0xad: {  	v25 =	vmin.u32 v25, $0x270F  }
0xae: {  	v25 =	vadd.s32 v1, v25  }
0xaf: {  	v25 =	vshll.u32 v25, $0x7  }
0xb0: {  	v25 =	vor.u32 v15, v25;
	_ =	sdelay $0x3  }
0xb1: {  	s30 =	rddreg [dreg:$0x11]  }
0xb2: {  	[tilespmem:s30], [sflag:$0x1] =	stream.indirect_vreg.gather [hbm4b:s0+s3], $0x1, v25, vm0, $0xb8;
	[tilespmem:$0x1290] =	vst v63  }
0xb3: {  	v25 =	vld [tilespmem:s8+$0x0];
	_ =	sdelay $0x4  }
0xb4: {  	vm3 =	vgt.s32 v25, $0x0  }
0xb5: {  	v25 =	vnsel vm3, $0x0, v25  }
0xb6: {  	v25 =	vmin.u32 v25, $0x270F  }
0xb7: {  	v25 =	vadd.s32 v2, v25  }
0xb8: {  	v25 =	vshll.u32 v25, $0x7  }
0xb9: {  	v25 =	vor.u32 v12, v25;
	_ =	sdelay $0x3  }
0xba: {  	s31 =	rddreg [dreg:$0x12]  }
0xbb: {  	[tilespmem:s31], [sflag:$0x1] =	stream.indirect_vreg.gather [hbm4b:s0+s3], $0x1, v25, vm0, $0xb8;
	[tilespmem:$0x1290] =	vst v63  }
0xbc: {  	v25 =	vld [tilespmem:s9+$0x0];
	_ =	sdelay $0x4  }
0xbd: {  	vm3 =	vgt.s32 v25, $0x0  }
0xbe: {  	v25 =	vnsel vm3, $0x0, v25  }
0xbf: {  	v25 =	vmin.u32 v25, $0x270F  }
0xc0: {  	v25 =	vadd.s32 v2, v25  }
0xc1: {  	v25 =	vshll.u32 v25, $0x7  }
0xc2: {  	v25 =	vor.u32 v15, v25;
	_ =	sdelay $0x3  }
0xc3: {  	s29 =	rddreg [dreg:$0x13]  }
0xc4: {  	[tilespmem:s29], [sflag:$0x1] =	stream.indirect_vreg.gather [hbm4b:s0+s3], $0x1, v25, vm0, $0xb8;
	[tilespmem:$0x1290] =	vst v63  }
0xc5: {  	v25 =	vld [tilespmem:s10+$0x0];
	_ =	sdelay $0x4  }
0xc6: {  	vm3 =	vgt.s32 v25, $0x0  }
0xc7: {  	v25 =	vnsel vm3, $0x0, v25  }
0xc8: {  	v25 =	vmin.u32 v25, $0x270F  }
0xc9: {  	v25 =	vadd.s32 v3, v25  }
0xca: {  	v25 =	vshll.u32 v25, $0x7  }
0xcb: {  	v25 =	vor.u32 v12, v25;
	_ =	sdelay $0x3  }
0xcc: {  	s30 =	rddreg [dreg:$0x14]  }
0xcd: {  	[tilespmem:s30], [sflag:$0x1] =	stream.indirect_vreg.gather [hbm4b:s0+s3], $0x1, v25, vm0, $0xb8;
	[tilespmem:$0x1290] =	vst v63  }
0xce: {  	v25 =	vld [tilespmem:s11+$0x0];
	_ =	sdelay $0x4  }
0xcf: {  	vm3 =	vgt.s32 v25, $0x0  }
0xd0: {  	v25 =	vnsel vm3, $0x0, v25  }
0xd1: {  	v25 =	vmin.u32 v25, $0x270F  }
0xd2: {  	v25 =	vadd.s32 v3, v25  }
0xd3: {  	v25 =	vshll.u32 v25, $0x7  }
0xd4: {  	v25 =	vor.u32 v15, v25;
	_ =	sdelay $0x3  }
0xd5: {  	s31 =	rddreg [dreg:$0x15]  }
0xd6: {  	[tilespmem:s31], [sflag:$0x1] =	stream.indirect_vreg.gather [hbm4b:s0+s3], $0x1, v25, vm0, $0xb8;
	[tilespmem:$0x1290] =	vst v63  }
0xd7: {  	v25 =	vld [tilespmem:s12+$0x0];
	_ =	sdelay $0x4  }
0xd8: {  	vm3 =	vgt.s32 v25, $0x0  }
0xd9: {  	v25 =	vnsel vm3, $0x0, v25  }
0xda: {  	v25 =	vmin.u32 v25, $0x270F  }
0xdb: {  	v25 =	vadd.s32 v4, v25  }
0xdc: {  	v25 =	vshll.u32 v25, $0x7  }
0xdd: {  	v25 =	vor.u32 v12, v25;
	_ =	sdelay $0x3  }
0xde: {  	s29 =	rddreg [dreg:$0x16]  }
0xdf: {  	[tilespmem:s29], [sflag:$0x1] =	stream.indirect_vreg.gather [hbm4b:s0+s3], $0x1, v25, vm0, $0xb8;
	[tilespmem:$0x1290] =	vst v63  }
0xe0: {  	v25 =	vld [tilespmem:s13+$0x0];
	_ =	sdelay $0x4  }
0xe1: {  	vm3 =	vgt.s32 v25, $0x0  }
0xe2: {  	v25 =	vnsel vm3, $0x0, v25  }
0xe3: {  	v25 =	vmin.u32 v25, $0x270F  }
0xe4: {  	v25 =	vadd.s32 v4, v25  }
0xe5: {  	v25 =	vshll.u32 v25, $0x7  }
0xe6: {  	v25 =	vor.u32 v15, v25;
	_ =	sdelay $0x3  }
0xe7: {  	s30 =	rddreg [dreg:$0x17]  }
0xe8: {  	[tilespmem:s30], [sflag:$0x1] =	stream.indirect_vreg.gather [hbm4b:s0+s3], $0x1, v25, vm0, $0xb8;
	[tilespmem:$0x1290] =	vst v63  }
0xe9: {  	v25 =	vld [tilespmem:s14+$0x0];
	_ =	sdelay $0x4  }
0xea: {  	vm3 =	vgt.s32 v25, $0x0  }
0xeb: {  	v25 =	vnsel vm3, $0x0, v25  }
0xec: {  	v25 =	vmin.u32 v25, $0x270F  }
0xed: {  	v25 =	vadd.s32 v5, v25  }
0xee: {  	v25 =	vshll.u32 v25, $0x7  }
0xef: {  	v25 =	vor.u32 v12, v25;
	_ =	sdelay $0x3  }
0xf0: {  	s31 =	rddreg [dreg:$0x18]  }
0xf1: {  	[tilespmem:s31], [sflag:$0x1] =	stream.indirect_vreg.gather [hbm4b:s0+s3], $0x1, v25, vm0, $0xb8;
	[tilespmem:$0x1290] =	vst v63  }
0xf2: {  	v25 =	vld [tilespmem:s15+$0x0];
	_ =	sdelay $0x4  }
0xf3: {  	vm3 =	vgt.s32 v25, $0x0  }
0xf4: {  	v25 =	vnsel vm3, $0x0, v25  }
0xf5: {  	v25 =	vmin.u32 v25, $0x270F  }
0xf6: {  	v25 =	vadd.s32 v5, v25  }
0xf7: {  	v25 =	vshll.u32 v25, $0x7  }
0xf8: {  	v25 =	vor.u32 v15, v25;
	_ =	sdelay $0x3  }
0xf9: {  	s29 =	rddreg [dreg:$0x19]  }
0xfa: {  	[tilespmem:s29], [sflag:$0x1] =	stream.indirect_vreg.gather [hbm4b:s0+s3], $0x1, v25, vm0, $0xb8;
	[tilespmem:$0x1290] =	vst v63  }
0xfb: {  	v25 =	vld [tilespmem:s16+$0x0];
	_ =	sdelay $0x4  }
0xfc: {  	vm3 =	vgt.s32 v25, $0x0  }
0xfd: {  	v25 =	vnsel vm3, $0x0, v25  }
0xfe: {  	v25 =	vmin.u32 v25, $0x270F  }
0xff: {  	v25 =	vadd.s32 v6, v25  }
0x100: {  	v25 =	vshll.u32 v25, $0x7  }
0x101: {  	v25 =	vor.u32 v12, v25;
	_ =	sdelay $0x3  }
0x102: {  	s30 =	rddreg [dreg:$0x1a]  }
0x103: {  	[tilespmem:s30], [sflag:$0x1] =	stream.indirect_vreg.gather [hbm4b:s0+s3], $0x1, v25, vm0, $0xb8;
	[tilespmem:$0x1290] =	vst v63  }
0x104: {  	v25 =	vld [tilespmem:s17+$0x0];
	_ =	sdelay $0x4  }
0x105: {  	vm3 =	vgt.s32 v25, $0x0  }
0x106: {  	v25 =	vnsel vm3, $0x0, v25  }
0x107: {  	v25 =	vmin.u32 v25, $0x270F  }
0x108: {  	v25 =	vadd.s32 v6, v25  }
0x109: {  	v25 =	vshll.u32 v25, $0x7  }
0x10a: {  	v25 =	vor.u32 v15, v25;
	_ =	sdelay $0x4  }
0x10b: {  	[tilespmem:s22], [sflag:$0x1] =	stream.indirect_vreg.gather [hbm4b:s0+s3], $0x1, v25, vm0, $0xb8;
	[tilespmem:$0x1290] =	vst v63  }
0x10c: {  	v25 =	vld [tilespmem:s18+$0x0];
	_ =	sdelay $0x4  }
0x10d: {  	vm3 =	vgt.s32 v25, $0x0  }
0x10e: {  	v25 =	vnsel vm3, $0x0, v25  }
0x10f: {  	v25 =	vmin.u32 v25, $0x270F  }
0x110: {  	v25 =	vadd.s32 v7, v25  }
0x111: {  	v25 =	vshll.u32 v25, $0x7  }
0x112: {  	v25 =	vor.u32 v12, v25;
	_ =	sdelay $0x4  }
0x113: {  	[tilespmem:s23], [sflag:$0x1] =	stream.indirect_vreg.gather [hbm4b:s0+s3], $0x1, v25, vm0, $0xb8;
	[tilespmem:$0x1290] =	vst v63  }
0x114: {  	v25 =	vld [tilespmem:s19+$0x0];
	_ =	sdelay $0x4  }
0x115: {  	vm3 =	vgt.s32 v25, $0x0  }
0x116: {  	v25 =	vnsel vm3, $0x0, v25  }
0x117: {  	v25 =	vmin.u32 v25, $0x270F  }
0x118: {  	v25 =	vadd.s32 v7, v25  }
0x119: {  	v25 =	vshll.u32 v25, $0x7  }
0x11a: {  	v25 =	vor.u32 v15, v25;
	_ =	sdelay $0x4  }
0x11b: {  	[tilespmem:s24], [sflag:$0x1] =	stream.indirect_vreg.gather [hbm4b:s0+s3], $0x1, v25, vm0, $0xb8;
	[tilespmem:$0x1290] =	vst v63  }
0x11c: {  	_ =	swait.ge [sflag:s25], $0x10  }
0x11d: {  	[sflag:s25] =	ssyncset.done $0x0  }
0x11e: {  	[sflag:s25] =	ssyncadd.s32 $0xFFFFFFF0  }
0x11f: {  	_ =	swait.ge [sflag:s25], $0x10  }
0x120: {  	[sflag:s25] =	ssyncset.done $0x0  }
0x121: {  	[sflag:s25] =	ssyncadd.s32 $0xFFFFFFF0  }
0x122: {  	_ =	swait.ge [sflag:s25], $0x10  }
0x123: {  	[sflag:s25] =	ssyncset.done $0x0  }
0x124: {  	[sflag:s25] =	ssyncadd.s32 $0xFFFFFFF0  }
0x125: {  	_ =	swait.ge [sflag:s25], $0x10  }
0x126: {  	[sflag:s25] =	ssyncset.done $0x0  }
0x127: {  	[sflag:s25] =	ssyncadd.s32 $0xFFFFFFF0  }
0x128: {  	_ =	swait.ge [sflag:s25], $0x10  }
0x129: {  	[sflag:s25] =	ssyncset.done $0x0  }
0x12a: {  	[sflag:s25] =	ssyncadd.s32 $0xFFFFFFF0  }
0x12b: {  	_ =	swait.ge [sflag:s25], $0x10  }
0x12c: {  	[sflag:s25] =	ssyncset.done $0x0  }
0x12d: {  	[sflag:s25] =	ssyncadd.s32 $0xFFFFFFF0  }
0x12e: {  	_ =	swait.ge [sflag:s25], $0x10  }
0x12f: {  	[sflag:s25] =	ssyncset.done $0x0  }
0x130: {  	[sflag:s25] =	ssyncadd.s32 $0xFFFFFFF0  }
0x131: {  	_ =	swait.ge [sflag:s25], $0x10  }
0x132: {  	[sflag:s25] =	ssyncset.done $0x0  }
0x133: {  	[sflag:s25] =	ssyncadd.s32 $0xFFFFFFF0  }
0x134: {  	_ =	swait.ge [sflag:s25], $0x10  }
0x135: {  	[sflag:s25] =	ssyncset.done $0x0  }
0x136: {  	[sflag:s25] =	ssyncadd.s32 $0xFFFFFFF0  }
0x137: {  	_ =	swait.ge [sflag:s25], $0x10  }
0x138: {  	[sflag:s25] =	ssyncset.done $0x0  }
0x139: {  	[sflag:s25] =	ssyncadd.s32 $0xFFFFFFF0  }
0x13a: {  	_ =	swait.ge [sflag:s25], $0x10  }
0x13b: {  	[sflag:s25] =	ssyncset.done $0x0  }
0x13c: {  	[sflag:s25] =	ssyncadd.s32 $0xFFFFFFF0  }
0x13d: {  	_ =	swait.ge [sflag:s25], $0x10  }
0x13e: {  	[sflag:s25] =	ssyncset.done $0x0  }
0x13f: {  	[sflag:s25] =	ssyncadd.s32 $0xFFFFFFF0  }
0x140: {  	_ =	swait.ge [sflag:s25], $0x10  }
0x141: {  	[sflag:s25] =	ssyncset.done $0x0  }
0x142: {  	[sflag:s25] =	ssyncadd.s32 $0xFFFFFFF0  }
0x143: {  	_ =	swait.ge [sflag:s25], $0x10  }
0x144: {  	[sflag:s25] =	ssyncset.done $0x0  }
0x145: {  	[sflag:s25] =	ssyncadd.s32 $0xFFFFFFF0  }
0x146: {  	_ =	swait.ge [sflag:s25], $0x10  }
0x147: {  	[sflag:s25] =	ssyncset.done $0x0  }
0x148: {  	[sflag:s25] =	ssyncadd.s32 $0xFFFFFFF0  }
0x149: {  	_ =	swait.ge [sflag:s25], $0x10  }
0x14a: {  	[sflag:s25] =	ssyncset.done $0x0  }
0x14b: {  	[sflag:s25] =	ssyncadd.s32 $0xFFFFFFF0  }
0x14c: {  	v26 =	vld [tilespmem:s4+$0x400]  }
0x14d: {  	v25 =	vld [tilespmem:s4+$0x800]  }
0x14e: {  	v27 =	vld [tilespmem:s5+$0x400]  }
0x14f: {  	v50 =	vld [tilespmem:$0xA90]  }
0x150: {  	v51 =	vld [tilespmem:s6+$0x400]  }
0x151: {  	v53 =	vld [tilespmem:$0xB10]  }
0x152: {  	v55 =	vld [tilespmem:$0xB90];
	vm3 =	vgt.s32 v26, $0x0  }
0x153: {  	v52 =	vsel vm3, $0x3F800000, v24;
	vm3 =	vgt.s32 v27, $0x0;
	v27 =	vld [tilespmem:s7+$0x400]  }
0x154: {  	v56 =	vld [tilespmem:s8+$0x400]  }
0x155: {  	v26 =	vld [tilespmem:s5+$0x800];
	v30 =	vmul.f32 v52, v8;
	v54 =	vsel vm3, $0x3F800000, v24;
	vm3 =	vgt.s32 v51, $0x0  }
0x156: {  	v32 =	vmul.f32 v54, v8;
	v57 =	vsel vm3, $0x3F800000, v24  }
0x157: {  	v58 =	vld [tilespmem:$0xC10];
	v28 =	vmul.f32 v30, v50;
	v34 =	vmul.f32 v57, v9  }
0x158: {  	v31 =	vmul.f32 v32, v53;
	vm3 =	vgt.s32 v27, $0x0;
	v27 =	vld [tilespmem:s9+$0x400]  }
0x159: {  	v37 =	vld [tilespmem:$0xC90];
	v28 =	vmul.f32 v28, v25;
	v33 =	vmul.f32 v34, v55  }
0x15a: {  	v31 =	vmul.f32 v31, v26;
	v36 =	vsel vm3, $0x3F800000, v24;
	vm3 =	vgt.s32 v56, $0x0  }
0x15b: {  	v59 =	vld [tilespmem:s10+$0x400];
	v28 =	vsub.f32 $0.0e+00, v28;
	v36 =	vmul.f32 v36, v9;
	v61 =	vsel vm3, $0x3F800000, v24  }
0x15c: {  	v38 =	vld [tilespmem:$0xD10];
	v30 =	vadd.f32 v32, v30;
	v60 =	vmul.f32 v33, v25;
	v33 =	vmul.f32 v61, v10  }
0x15d: {  	v28 =	vsub.f32 v28, v31;
	v35 =	vmul.f32 v36, v58;
	vm3 =	vgt.s32 v27, $0x0;
	v27 =	vld [tilespmem:s11+$0x400]  }
0x15e: {  	v30 =	vadd.f32 v34, v30;
	v63 =	vmul.f32 v33, v37  }
0x15f: {  	v41 =	vld [tilespmem:$0xD90];
	v28 =	vsub.f32 v28, v60;
	v62 =	vmul.f32 v35, v26;
	v40 =	vsel vm3, $0x3F800000, v24  }
0x160: {  	v43 =	vld [tilespmem:s12+$0x400];
	v30 =	vadd.f32 v36, v30;
	vm3 =	vgt.s32 v59, $0x0;
	v42 =	vmul.f32 v40, v10  }
0x161: {  	v46 =	vld [tilespmem:$0xE10];
	v44 =	vmul.f32 v63, v25;
	v45 =	vsel vm3, $0x3F800000, v24;
	v28 =	vsub.f32 v28, v62  }
0x162: {  	v32 =	vmul.f32 v45, v11;
	v35 =	vmul.f32 v42, v38;
	vm3 =	vgt.s32 v27, $0x0;
	v27 =	vld [tilespmem:s13+$0x400]  }
0x163: {  	v30 =	vadd.f32 v33, v30;
	v28 =	vsub.f32 v28, v44  }
0x164: {  	v50 =	vld [tilespmem:$0xE90];
	v48 =	vmul.f32 v32, v41;
	v47 =	vmul.f32 v35, v26;
	v49 =	vsel vm3, $0x3F800000, v24  }
0x165: {  	v52 =	vld [tilespmem:s14+$0x400];
	v30 =	vadd.f32 v42, v30;
	vm3 =	vgt.s32 v43, $0x0;
	v51 =	vmul.f32 v49, v11  }
0x166: {  	v55 =	vld [tilespmem:$0xF10];
	v53 =	vmul.f32 v48, v25;
	v54 =	vsel vm3, $0x3F800000, v24;
	v28 =	vsub.f32 v28, v47  }
0x167: {  	v35 =	vmul.f32 v54, v13;
	v36 =	vmul.f32 v51, v46;
	vm3 =	vgt.s32 v27, $0x0;
	v27 =	vld [tilespmem:s15+$0x400]  }
0x168: {  	v30 =	vadd.f32 v32, v30;
	v28 =	vsub.f32 v28, v53  }
0x169: {  	v59 =	vld [tilespmem:$0xF90];
	v57 =	vmul.f32 v35, v50;
	v56 =	vmul.f32 v36, v26;
	v58 =	vsel vm3, $0x3F800000, v24  }
0x16a: {  	v63 =	vld [tilespmem:$0x1010];
	v30 =	vadd.f32 v51, v30;
	vm3 =	vgt.s32 v52, $0x0;
	v60 =	vmul.f32 v58, v13  }
0x16b: {  	v40 =	vld [tilespmem:s16+$0x400];
	v61 =	vmul.f32 v57, v25;
	v62 =	vsel vm3, $0x3F800000, v24;
	v28 =	vsub.f32 v28, v56  }
0x16c: {  	v31 =	vmul.f32 v62, v14;
	v36 =	vmul.f32 v60, v55;
	vm3 =	vgt.s32 v27, $0x0;
	v27 =	vld [tilespmem:s17+$0x400]  }
0x16d: {  	v30 =	vadd.f32 v35, v30;
	v28 =	vsub.f32 v28, v61  }
0x16e: {  	v47 =	vld [tilespmem:s18+$0x400];
	v42 =	vmul.f32 v31, v59;
	v41 =	vmul.f32 v36, v26;
	v43 =	vsel vm3, $0x3F800000, v24  }
0x16f: {  	v45 =	vld [tilespmem:$0x1090];
	v30 =	vadd.f32 v60, v30;
	v44 =	vmul.f32 v43, v14  }
0x170: {  	v49 =	vld [tilespmem:$0x1110];
	vm3 =	vgt.s32 v40, $0x0;
	v46 =	vmul.f32 v42, v25;
	v28 =	vsub.f32 v28, v41  }
0x171: {  	v50 =	vsel vm3, $0x3F800000, v24;
	v48 =	vmul.f32 v44, v63;
	vm3 =	vgt.s32 v27, $0x0;
	v27 =	vld [tilespmem:s19+$0x400]  }
0x172: {  	v53 =	vld [tilespmem:$0x1190];
	v30 =	vadd.f32 v31, v30;
	v29 =	vmul.f32 v50, v16;
	v28 =	vsub.f32 v28, v46  }
0x173: {  	v32 =	vmul.f32 v48, v26;
	v51 =	vsel vm3, $0x3F800000, v24;
	vm3 =	vgt.s32 v47, $0x0  }
0x174: {  	v54 =	vmul.f32 v29, v45;
	v52 =	vmul.f32 v51, v16;
	v56 =	vsel vm3, $0x3F800000, v24  }
0x175: {  	v57 =	vld [tilespmem:$0x1210];
	v30 =	vadd.f32 v44, v30;
	v28 =	vsub.f32 v28, v32;
	v58 =	vmul.f32 v56, v17  }
0x176: {  	v55 =	vmul.f32 v52, v49;
	vm3 =	vgt.s32 v27, $0x0;
	v27 =	vmul.f32 v54, v25  }
0x177: {  	v29 =	vadd.f32 v29, v30;
	v61 =	vmul.f32 v58, v53;
	v60 =	vsel vm3, $0x3F800000, v24  }
0x178: {  	v59 =	vmul.f32 v55, v26;
	v27 =	vsub.f32 v28, v27;
	v33 =	vmul.f32 v60, v17  }
0x179: {  	v29 =	vadd.f32 v52, v29  }
0x17a: {  	v25 =	vmul.f32 v61, v25;
	v27 =	vsub.f32 v27, v59;
	v62 =	vmul.f32 v33, v57  }
0x17b: {  	v29 =	vadd.f32 v58, v29  }
0x17c: {  	v25 =	vsub.f32 v27, v25;
	v26 =	vmul.f32 v62, v26  }
0x17d: {  	v27 =	vadd.f32 v33, v29  }
0x17e: {  	v25 =	vsub.f32 v25, v26  }
0x17f: {  	v26 =	vperm.xlane v27, v18  }
0x180: {  	v63 =	vperm.xlane v25, v18  }
0x181: {  	v26 =	vadd.f32 v26, v27  }
0x182: {  	v25 =	vadd.f32 v25, v63  }
0x183: {  	v27 =	vperm.xlane v26, v19  }
0x184: {  	v28 =	vperm.xlane v25, v19  }
0x185: {  	v26 =	vadd.f32 v27, v26  }
0x186: {  	v25 =	vadd.f32 v25, v28  }
0x187: {  	v27 =	vperm.xlane v26, v21  }
0x188: {  	v28 =	vperm.xlane v25, v21  }
0x189: {  	v26 =	vadd.f32 v27, v26  }
0x18a: {  	v25 =	vadd.f32 v25, v28  }
0x18b: {  	v27 =	vperm.xlane v26, v22  }
0x18c: {  	v28 =	vperm.xlane v25, v22  }
0x18d: {  	v26 =	vadd.f32 v27, v26  }
0x18e: {  	v25 =	vadd.f32 v25, v28  }
0x18f: {  	v26 =	vsel vm1, $0x0, v26  }
0x190: {  	v25 =	vsel vm2, v25, v26  }
0x191: {  	s31 =	rddreg [dreg:$0xa];
	[tilespmem:$0x880] =	vst v25  }
0x192: {  	[spmem:s31] =	stream.linear.scatter [tilespmem:s26], [sflag:$0x2], $0x10, $0x38;
	[tilespmem:$0x1290] =	vst v63  }
0x193: {  	_ =	swait.ge [sflag:s21], $0x10  }
0x194: {  	[sflag:s21] =	ssyncset.done $0x0  }
0x195: {  	[sflag:s21] =	ssyncadd.s32 $0xFFFFFFF0  }
0x196: {  	s28 =	simm.s32 @!p0 $0x900;
	[bflag:$0x0] =	sbarrier.arrive $0xFFFF  }
0x197: {  	[tilespmem:s28], [sflag:$0x2] =	stream.linear.gather @!p0 [spmem:s2], $0x100, $0x38;
	[tilespmem:$0x1290] =	vst v63  }
0x198: {  	s28 =	simm.s32 @!p0 $0x2  }
0x199: {  	_ =	swait.ge @!p0 [sflag:s28], $0x100  }
0x19a: {  	[sflag:s28] =	ssyncset.done @!p0 $0x0  }
0x19b: {  	[sflag:s28] =	ssyncadd.s32 @!p0 $0xFFFFFF00  }
0x19c: {  	v25 =	vld @!p0 [tilespmem:$0x900];
	_ =	sdelay $0x1  }
0x19d: {  	v26 =	vld @!p0 [tilespmem:$0x910];
	_ =	sdelay $0x1  }
0x19e: {  	v27 =	vld @!p0 [tilespmem:$0x920]  }
0x19f: {  	v25 =	vadd.f32 @!p0 $0.0e+00, v25  }
0x1a0: {  	v28 =	vld @!p0 [tilespmem:$0x930]  }
0x1a1: {  	v25 =	vadd.f32 @!p0 v26, v25  }
0x1a2: {  	v26 =	vld @!p0 [tilespmem:$0x940]  }
0x1a3: {  	v25 =	vadd.f32 @!p0 v27, v25  }
0x1a4: {  	v27 =	vld @!p0 [tilespmem:$0x950]  }
0x1a5: {  	v25 =	vadd.f32 @!p0 v28, v25  }
0x1a6: {  	v28 =	vld @!p0 [tilespmem:$0x960]  }
0x1a7: {  	v25 =	vadd.f32 @!p0 v26, v25  }
0x1a8: {  	v26 =	vld @!p0 [tilespmem:$0x970]  }
0x1a9: {  	v25 =	vadd.f32 @!p0 v27, v25  }
0x1aa: {  	v27 =	vld @!p0 [tilespmem:$0x980]  }
0x1ab: {  	v25 =	vadd.f32 @!p0 v28, v25  }
0x1ac: {  	v28 =	vld @!p0 [tilespmem:$0x990]  }
0x1ad: {  	v25 =	vadd.f32 @!p0 v26, v25  }
0x1ae: {  	v26 =	vld @!p0 [tilespmem:$0x9A0]  }
0x1af: {  	v25 =	vadd.f32 @!p0 v27, v25  }
0x1b0: {  	v27 =	vld @!p0 [tilespmem:$0x9B0]  }
0x1b1: {  	v25 =	vadd.f32 @!p0 v28, v25  }
0x1b2: {  	v28 =	vld @!p0 [tilespmem:$0x9C0]  }
0x1b3: {  	v25 =	vadd.f32 @!p0 v26, v25  }
0x1b4: {  	v26 =	vld @!p0 [tilespmem:$0x9D0]  }
0x1b5: {  	v25 =	vadd.f32 @!p0 v27, v25  }
0x1b6: {  	v27 =	vld @!p0 [tilespmem:$0x9E0]  }
0x1b7: {  	v25 =	vadd.f32 @!p0 v28, v25  }
0x1b8: {  	v28 =	vld @!p0 [tilespmem:$0x9F0]  }
0x1b9: {  	v25 =	vadd.f32 @!p0 v26, v25;
	_ =	sdelay $0x1  }
0x1ba: {  	v25 =	vadd.f32 @!p0 v27, v25;
	_ =	sdelay $0x1  }
0x1bb: {  	s20 =	sadd.s32 $0xFFFFFFFF, s20;
	v25 =	vadd.f32 @!p0 v28, v25  }
0x1bc: {  	p1 =	sne.s32 s20, $0x0;
	s30 =	simm.s32 @!p0 $0x0  }
.Ltmp0:
0x1bd: {  	s31 =	simm.s32 @!p0 $0xA00;
	s29 =	rddreg [dreg:$0xb];
	[tilespmem:$0xA00] =	vst @!p0 v25;
	(pc) =	sbr.rel @p1 .LBB2_1-.Ltmp0, $4  }
0x1be: {  	[hbm4b:s29+s30] =	stream.linear.scatter @!p0 [tilespmem:s31], [sflag:$0x2], $0x10, $0x38;
	[tilespmem:$0x1290] =	vst v63  }
0x1bf: {  	_ =	swait.ge @!p0 [sflag:s28], $0x10  }
0x1c0: {  	[sflag:s28] =	ssyncset.done @!p0 $0x0  }
0x1c1: {  	[sflag:s28] =	ssyncadd.s32 @!p0 $0xFFFFFFF0  }
0x1c2: {  	_ =	sfence.sel $0x180000  }
0x1c3: {  	[bflag:$0x0] =	sbarrier.arrive $0xFFFF  }
0x1c4: {  	_ =	strace $0x90000047  }
0x1c5: {  	s0 =	sadd.s32 @!p0 $0x100000, s1;
	[bflag:$0x2] =	sbarrier.arrive $0xFFFF  }
0x1c6: {  	[sflag:s0] =	ssyncadd.tile.s32 @!p0 $0x1;
	_ =	shalt  }
.Lfunc_end2:
_tile_overlayer_lowered:
.L_overlay_start_2:
0x1c7: {  	(tag) =	ssettag $0x2  }
0x1c8: {  	s0 =	rddreg [dreg:$0x0];
	s2 =	stileid.u32  }
0x1c9: {  	s1 =	rddreg [dreg:$0x1];
	p0 =	sne.s32 s2, $0x0  }
0x1ca: {  	s3 =	rddreg [dreg:$0x2];
	[bflag:$0x3] =	sbarrier.arrive $0xFFFF;
	s2 =	simm.s32 @!p0 $0x1C02  }
0x1cb: {  	[timem:s3], [sflag:s2] =	dma.local @!p0 [hbm:s0], s1  }
0x1cc: {  	s0 =	simm.s32 @!p0 $0x2  }
0x1cd: {  	_ =	swait.ge @!p0 [sflag:s0], s1  }
0x1ce: {  	s1 =	ssub.s32 @!p0 $0x0, s1;
	[sflag:s0] =	ssyncset.done @!p0 $0x0  }
0x1cf: {  	[sflag:s0] =	ssyncadd.s32 @!p0 s1  }
0x1d0: {  	[bflag:$0x3] =	sbarrier.arrive $0xFFFF  }
0x1d1: {  	_ =	shalt  }

</sc_bundles>
